<compile_context>
chip_gen: v7x
topology: tpu7x:2x2x1
jax: 0.10.2.dev20260603
libtpu: 0.0.44.dev20260713+nightly
codegen_flags: <defaults>
</compile_context>

<pallas_src>
import functools

import jax
import jax.numpy as jnp
from jax import lax
from jax.experimental import pallas as pl
from jax.experimental.pallas import tpu as pltpu
from jax.experimental.pallas import tpu_sc as plsc

DEPTH = 256
LANES = 16
NUM_CORES = 2
NUM_SUBCORES = 16
NUM_WORKERS = NUM_CORES * NUM_SUBCORES


def _build_scatter_kernel(n_idx: int):
    assert n_idx % NUM_WORKERS == 0
    idx_per_worker = n_idx // NUM_WORKERS
    nbuf = 2
    idx_per_chunk = 192
    vec_per_chunk = idx_per_chunk // LANES
    floats_per_chunk = idx_per_chunk * DEPTH
    assert idx_per_worker % idx_per_chunk == 0
    n_chunks = idx_per_worker // idx_per_chunk
    assert n_chunks % nbuf == 0
    out_len = n_idx * DEPTH

    mesh = plsc.VectorSubcoreMesh(
        core_axis_name="c",
        subcore_axis_name="s",
        num_cores=NUM_CORES,
        num_subcores=NUM_SUBCORES,
    )

    @functools.partial(
        pl.kernel,
        out_type=jax.ShapeDtypeStruct((out_len,), jnp.float32),
        mesh=mesh,
        compiler_params=pltpu.CompilerParams(needs_layout_passes=False),
        scratch_types=(
            [pltpu.VMEM((floats_per_chunk,), jnp.float32)] * nbuf
            + [pltpu.VMEM((idx_per_worker,), jnp.int32)]
            + [pltpu.SemaphoreType.DMA] * nbuf
        ),
    )
    def scatter_kernel(in_hbm, out_hbm, *scratch):
        bufs = scratch[:nbuf]
        idx_all = scratch[nbuf]
        sems = scratch[nbuf + 1:]
        wid = lax.axis_index("s") * NUM_CORES + lax.axis_index("c")
        in_base = wid * idx_per_worker
        out_base = wid * idx_per_worker * DEPTH
        lane_off = lax.iota(jnp.int32, 16) * DEPTH
        ones = jnp.full((LANES,), 1.0, jnp.float32)
        zeros_v = jnp.zeros((LANES,), jnp.float32)

        in_copy = pltpu.make_async_copy(
            in_hbm.at[pl.ds(in_base, idx_per_worker)], idx_all, sems[0])
        in_copy.start()

        def zero_fill(buf):
            @pl.loop(0, floats_per_chunk // (LANES * 8))
            def _(i):
                for u in range(8):
                    buf[pl.ds((i * 8 + u) * LANES, LANES)] = zeros_v

        zero_fill(bufs[0])
        in_copy.wait()

        def scatter(buf, c, val):
            for jv in range(vec_per_chunk):
                iv = idx_all[pl.ds(c * idx_per_chunk + jv * LANES, LANES)]
                pv = lane_off + (jv * LANES * DEPTH) + iv
                plsc.store_scatter(buf, [pv], val)

        def emit(c, b):
            scatter(bufs[b], c, ones)
            pltpu.async_copy(
                bufs[b],
                out_hbm.at[pl.ds(out_base + c * floats_per_chunk,
                                 floats_per_chunk)],
                sems[b],
            )

        def drain(b):
            pltpu.make_async_copy(
                bufs[b],
                out_hbm.at[pl.ds(out_base, floats_per_chunk)],
                sems[b],
            ).wait()

        for b in range(nbuf):
            emit(b, b)
            if b + 1 < nbuf:
                zero_fill(bufs[b + 1])

        @pl.loop(1, n_chunks // nbuf)
        def _(g):
            for b in range(nbuf):
                drain(b)
                scatter(bufs[b], nbuf * (g - 1) + b, zeros_v)
                emit(nbuf * g + b, b)

        for b in range(nbuf):
            drain(b)

    return scatter_kernel


def kernel(inputs):
    B, W, H, D = inputs.shape
    n_idx = B * W * H * D
    flat = inputs.astype(jnp.int32).reshape(n_idx)
    out = _build_scatter_kernel(n_idx)(flat)
    return out.reshape(B, W, H, DEPTH * D)

# --- scband reference (transcript-rebuilt; emitter-appended) ---
"""Pipeline reference for scband-made-input-33423435497506 (READ-ONLY COPY).

The authoritative reference and input builder live on the scoring server;
editing this copy changes nothing except your own understanding.
"""

import jax, jax.numpy as jnp
import numpy as np

D = 3
DEPTH = 256

def setup_inputs(seed: int = 0) -> dict:
    key = jax.random.key(seed)
    inputs = jax.random.randint(key, (64, 32, 32, 3), 0, 256, dtype=jnp.int32)
    return {"inputs": inputs}

def reference(inputs):
    # Faithful translation of MadeInput.call:
    #   units = reshape(one_hot(cast(inputs, int32), depth), (-1, W, H, depth*D))
    B, W, H, Dc = inputs.shape
    units = jax.nn.one_hot(inputs.astype(jnp.int32), DEPTH, dtype=jnp.float32)  # (B, W, H, D, depth)
    units = units.reshape(-1, W, H, DEPTH * Dc)  # row-major reshape matches tf.reshape
    return units

if __name__ == "__main__":
    import jax
    _d = setup_inputs()
    print(jax.jit(kernel)(*tuple(_d.values())))

</pallas_src>

<mosaic_0001>
#map = affine_map<(d0, d1) -> (0)>
module attributes {stable_mosaic.version = 14 : i64} {
  func.func @scatter_kernel(%arg0: i32, %arg1: i32, %arg2: memref<196608xi32, #tpu.memory_space<hbm>>, %arg3: memref<50331648xf32, #tpu.memory_space<hbm>>, %arg4: memref<49152xf32, #tpu.memory_space<vmem>>, %arg5: memref<49152xf32, #tpu.memory_space<vmem>>, %arg6: memref<6144xi32, #tpu.memory_space<vmem>>, %arg7: memref<!tpu.dma_semaphore, #tpu.memory_space<semaphore_mem>>, %arg8: memref<!tpu.dma_semaphore, #tpu.memory_space<semaphore_mem>>) attributes {dimension_semantics = [#tpu.dimension_semantics<core_parallel>, #tpu.dimension_semantics<subcore_parallel>], iteration_bounds = array<i64: 2, 16>, scalar_prefetch = 0 : i64, scratch_operands = 5 : i64, tpu.core_type = #tpu.core_type<sc_vector_subcore>, window_params = [{transform_indices = #map}, {transform_indices = #map}]} {
    %mul3A = arith.constant 2 : i32
    %mul3A_0 = arith.muli %arg1, %mul3A : i32
    %add3A = arith.addi %mul3A_0, %arg0 : i32
    %mul3A_1 = arith.constant 6144 : i32
    %mul3A_2 = arith.muli %add3A, %mul3A_1 : i32
    %mul3A_3 = arith.constant 6144 : i32
    %mul3A_4 = arith.muli %add3A, %mul3A_3 : i32
    %mul3A_5 = arith.constant 256 : i32
    %mul3A_6 = arith.muli %mul3A_4, %mul3A_5 : i32
    %iota3A = tpu.iota {dimensions = array<i32: 0>} : vector<16xi32>
    %mul3A_7 = arith.constant 256 : i32
    %mul3A_8 = vector.broadcast %mul3A_7 : i32 to vector<16xi32>
    %mul3A_9 = arith.muli %iota3A, %mul3A_8 : vector<16xi32>
    %broadcast_in_dim3A = arith.constant 1.000000e+00 : f32
    %broadcast_in_dim3A_10 = vector.broadcast %broadcast_in_dim3A : f32 to vector<16xf32>
    %broadcast_in_dim3A_11 = arith.constant 0.000000e+00 : f32
    %broadcast_in_dim3A_12 = vector.broadcast %broadcast_in_dim3A_11 : f32 to vector<16xf32>
    %dma_start3A = tpu.memref_slice %arg2[%mul3A_2] : memref<196608xi32, #tpu.memory_space<hbm>> -> memref<6144xi32, #tpu.memory_space<hbm>>
    %dma_start3A_13 = tpu.memref_slice %arg2[%mul3A_2] : memref<196608xi32, #tpu.memory_space<hbm>> -> memref<6144xi32, #tpu.memory_space<hbm>>
    tpu.enqueue_dma source(%dma_start3A_13 : memref<6144xi32, #tpu.memory_space<hbm>>) target(%arg6 : memref<6144xi32, #tpu.memory_space<vmem>>) target_semaphore(%arg7 : memref<!tpu.dma_semaphore, #tpu.memory_space<semaphore_mem>>)
    %scan3A = arith.constant 0 : i32
    %scan3A_14 = arith.constant 384 : i32
    %scan3A_15 = arith.addi %scan3A, %scan3A_14 : i32
    %scan3A_16 = arith.constant 1 : i32
    scf.for %scan3A_184 = %scan3A to %scan3A_15 step %scan3A_16  : i32 {
      %mul3A_185 = arith.constant 1 : i32
      %mul3A_186 = arith.muli %scan3A_184, %mul3A_185 : i32
      %add3A_187 = arith.constant 0 : i32
      %add3A_188 = arith.addi %add3A_187, %mul3A_186 : i32
      %mul3A_189 = arith.constant 8 : i32
      %mul3A_190 = arith.muli %add3A_188, %mul3A_189 : i32
      %add3A_191 = arith.constant 0 : i32
      %add3A_192 = arith.addi %mul3A_190, %add3A_191 : i32
      %mul3A_193 = arith.constant 16 : i32
      %mul3A_194 = arith.muli %add3A_192, %mul3A_193 : i32
      %swap3A = arith.index_cast %mul3A_194 : i32 to index
      %swap3A_195 = tpu.vector_load %arg4[%swap3A] {strides = array<i32>} : memref<49152xf32, #tpu.memory_space<vmem>>, vector<16xf32>,
      tpu.vector_store %arg4[%swap3A], %broadcast_in_dim3A_12 {strides = array<i32>} : memref<49152xf32, #tpu.memory_space<vmem>>, vector<16xf32>,
      %mul3A_196 = arith.constant 8 : i32
      %mul3A_197 = arith.muli %add3A_188, %mul3A_196 : i32
      %add3A_198 = arith.constant 1 : i32
      %add3A_199 = arith.addi %mul3A_197, %add3A_198 : i32
      %mul3A_200 = arith.constant 16 : i32
      %mul3A_201 = arith.muli %add3A_199, %mul3A_200 : i32
      %swap3A_202 = arith.index_cast %mul3A_201 : i32 to index
      %swap3A_203 = tpu.vector_load %arg4[%swap3A_202] {strides = array<i32>} : memref<49152xf32, #tpu.memory_space<vmem>>, vector<16xf32>,
      tpu.vector_store %arg4[%swap3A_202], %broadcast_in_dim3A_12 {strides = array<i32>} : memref<49152xf32, #tpu.memory_space<vmem>>, vector<16xf32>,
      %mul3A_204 = arith.constant 8 : i32
      %mul3A_205 = arith.muli %add3A_188, %mul3A_204 : i32
      %add3A_206 = arith.constant 2 : i32
      %add3A_207 = arith.addi %mul3A_205, %add3A_206 : i32
      %mul3A_208 = arith.constant 16 : i32
      %mul3A_209 = arith.muli %add3A_207, %mul3A_208 : i32
      %swap3A_210 = arith.index_cast %mul3A_209 : i32 to index
      %swap3A_211 = tpu.vector_load %arg4[%swap3A_210] {strides = array<i32>} : memref<49152xf32, #tpu.memory_space<vmem>>, vector<16xf32>,
      tpu.vector_store %arg4[%swap3A_210], %broadcast_in_dim3A_12 {strides = array<i32>} : memref<49152xf32, #tpu.memory_space<vmem>>, vector<16xf32>,
      %mul3A_212 = arith.constant 8 : i32
      %mul3A_213 = arith.muli %add3A_188, %mul3A_212 : i32
      %add3A_214 = arith.constant 3 : i32
      %add3A_215 = arith.addi %mul3A_213, %add3A_214 : i32
      %mul3A_216 = arith.constant 16 : i32
      %mul3A_217 = arith.muli %add3A_215, %mul3A_216 : i32
      %swap3A_218 = arith.index_cast %mul3A_217 : i32 to index
      %swap3A_219 = tpu.vector_load %arg4[%swap3A_218] {strides = array<i32>} : memref<49152xf32, #tpu.memory_space<vmem>>, vector<16xf32>,
      tpu.vector_store %arg4[%swap3A_218], %broadcast_in_dim3A_12 {strides = array<i32>} : memref<49152xf32, #tpu.memory_space<vmem>>, vector<16xf32>,
      %mul3A_220 = arith.constant 8 : i32
      %mul3A_221 = arith.muli %add3A_188, %mul3A_220 : i32
      %add3A_222 = arith.constant 4 : i32
      %add3A_223 = arith.addi %mul3A_221, %add3A_222 : i32
      %mul3A_224 = arith.constant 16 : i32
      %mul3A_225 = arith.muli %add3A_223, %mul3A_224 : i32
      %swap3A_226 = arith.index_cast %mul3A_225 : i32 to index
      %swap3A_227 = tpu.vector_load %arg4[%swap3A_226] {strides = array<i32>} : memref<49152xf32, #tpu.memory_space<vmem>>, vector<16xf32>,
      tpu.vector_store %arg4[%swap3A_226], %broadcast_in_dim3A_12 {strides = array<i32>} : memref<49152xf32, #tpu.memory_space<vmem>>, vector<16xf32>,
      %mul3A_228 = arith.constant 8 : i32
      %mul3A_229 = arith.muli %add3A_188, %mul3A_228 : i32
      %add3A_230 = arith.constant 5 : i32
      %add3A_231 = arith.addi %mul3A_229, %add3A_230 : i32
      %mul3A_232 = arith.constant 16 : i32
      %mul3A_233 = arith.muli %add3A_231, %mul3A_232 : i32
      %swap3A_234 = arith.index_cast %mul3A_233 : i32 to index
      %swap3A_235 = tpu.vector_load %arg4[%swap3A_234] {strides = array<i32>} : memref<49152xf32, #tpu.memory_space<vmem>>, vector<16xf32>,
      tpu.vector_store %arg4[%swap3A_234], %broadcast_in_dim3A_12 {strides = array<i32>} : memref<49152xf32, #tpu.memory_space<vmem>>, vector<16xf32>,
      %mul3A_236 = arith.constant 8 : i32
      %mul3A_237 = arith.muli %add3A_188, %mul3A_236 : i32
      %add3A_238 = arith.constant 6 : i32
      %add3A_239 = arith.addi %mul3A_237, %add3A_238 : i32
      %mul3A_240 = arith.constant 16 : i32
      %mul3A_241 = arith.muli %add3A_239, %mul3A_240 : i32
      %swap3A_242 = arith.index_cast %mul3A_241 : i32 to index
      %swap3A_243 = tpu.vector_load %arg4[%swap3A_242] {strides = array<i32>} : memref<49152xf32, #tpu.memory_space<vmem>>, vector<16xf32>,
      tpu.vector_store %arg4[%swap3A_242], %broadcast_in_dim3A_12 {strides = array<i32>} : memref<49152xf32, #tpu.memory_space<vmem>>, vector<16xf32>,
      %mul3A_244 = arith.constant 8 : i32
      %mul3A_245 = arith.muli %add3A_188, %mul3A_244 : i32
      %add3A_246 = arith.constant 7 : i32
      %add3A_247 = arith.addi %mul3A_245, %add3A_246 : i32
      %mul3A_248 = arith.constant 16 : i32
      %mul3A_249 = arith.muli %add3A_247, %mul3A_248 : i32
      %swap3A_250 = arith.index_cast %mul3A_249 : i32 to index
      %swap3A_251 = tpu.vector_load %arg4[%swap3A_250] {strides = array<i32>} : memref<49152xf32, #tpu.memory_space<vmem>>, vector<16xf32>,
      tpu.vector_store %arg4[%swap3A_250], %broadcast_in_dim3A_12 {strides = array<i32>} : memref<49152xf32, #tpu.memory_space<vmem>>, vector<16xf32>,
    }
    %scan3A_17 = arith.constant 384 : i32
    %dma_wait3A = tpu.memref_slice %arg2[%mul3A_2] : memref<196608xi32, #tpu.memory_space<hbm>> -> memref<6144xi32, #tpu.memory_space<hbm>>
    %dma_wait3A_18 = tpu.memref_slice %arg2[%mul3A_2] : memref<196608xi32, #tpu.memory_space<hbm>> -> memref<6144xi32, #tpu.memory_space<hbm>>
    tpu.wait_dma2 semaphore(%arg7 : memref<!tpu.dma_semaphore, #tpu.memory_space<semaphore_mem>>) src(%dma_wait3A_18 : memref<6144xi32, #tpu.memory_space<hbm>>) dst(%arg6 : memref<6144xi32, #tpu.memory_space<vmem>>)
    %get3A = arith.constant 0 : index
    %get3A_19 = tpu.vector_load %arg6[%get3A] {strides = array<i32>} : memref<6144xi32, #tpu.memory_space<vmem>>, vector<16xi32>,
    %add3A_20 = arith.constant 0 : i32
    %add3A_21 = vector.broadcast %add3A_20 : i32 to vector<16xi32>
    %add3A_22 = arith.addi %mul3A_9, %add3A_21 : vector<16xi32>
    %add3A_23 = arith.addi %add3A_22, %get3A_19 : vector<16xi32>
    tpu.vector_store_idx %arg4[%add3A_23], %broadcast_in_dim3A_10 : memref<49152xf32, #tpu.memory_space<vmem>>[vector<16xi32>], vector<16xf32>,
    %get3A_24 = arith.constant 16 : index
    %get3A_25 = tpu.vector_load %arg6[%get3A_24] {strides = array<i32>} : memref<6144xi32, #tpu.memory_space<vmem>>, vector<16xi32>,
    %add3A_26 = arith.constant 4096 : i32
    %add3A_27 = vector.broadcast %add3A_26 : i32 to vector<16xi32>
    %add3A_28 = arith.addi %mul3A_9, %add3A_27 : vector<16xi32>
    %add3A_29 = arith.addi %add3A_28, %get3A_25 : vector<16xi32>
    tpu.vector_store_idx %arg4[%add3A_29], %broadcast_in_dim3A_10 : memref<49152xf32, #tpu.memory_space<vmem>>[vector<16xi32>], vector<16xf32>,
    %get3A_30 = arith.constant 32 : index
    %get3A_31 = tpu.vector_load %arg6[%get3A_30] {strides = array<i32>} : memref<6144xi32, #tpu.memory_space<vmem>>, vector<16xi32>,
    %add3A_32 = arith.constant 8192 : i32
    %add3A_33 = vector.broadcast %add3A_32 : i32 to vector<16xi32>
    %add3A_34 = arith.addi %mul3A_9, %add3A_33 : vector<16xi32>
    %add3A_35 = arith.addi %add3A_34, %get3A_31 : vector<16xi32>
    tpu.vector_store_idx %arg4[%add3A_35], %broadcast_in_dim3A_10 : memref<49152xf32, #tpu.memory_space<vmem>>[vector<16xi32>], vector<16xf32>,
    %get3A_36 = arith.constant 48 : index
    %get3A_37 = tpu.vector_load %arg6[%get3A_36] {strides = array<i32>} : memref<6144xi32, #tpu.memory_space<vmem>>, vector<16xi32>,
    %add3A_38 = arith.constant 12288 : i32
    %add3A_39 = vector.broadcast %add3A_38 : i32 to vector<16xi32>
    %add3A_40 = arith.addi %mul3A_9, %add3A_39 : vector<16xi32>
    %add3A_41 = arith.addi %add3A_40, %get3A_37 : vector<16xi32>
    tpu.vector_store_idx %arg4[%add3A_41], %broadcast_in_dim3A_10 : memref<49152xf32, #tpu.memory_space<vmem>>[vector<16xi32>], vector<16xf32>,
    %get3A_42 = arith.constant 64 : index
    %get3A_43 = tpu.vector_load %arg6[%get3A_42] {strides = array<i32>} : memref<6144xi32, #tpu.memory_space<vmem>>, vector<16xi32>,
    %add3A_44 = arith.constant 16384 : i32
    %add3A_45 = vector.broadcast %add3A_44 : i32 to vector<16xi32>
    %add3A_46 = arith.addi %mul3A_9, %add3A_45 : vector<16xi32>
    %add3A_47 = arith.addi %add3A_46, %get3A_43 : vector<16xi32>
    tpu.vector_store_idx %arg4[%add3A_47], %broadcast_in_dim3A_10 : memref<49152xf32, #tpu.memory_space<vmem>>[vector<16xi32>], vector<16xf32>,
    %get3A_48 = arith.constant 80 : index
    %get3A_49 = tpu.vector_load %arg6[%get3A_48] {strides = array<i32>} : memref<6144xi32, #tpu.memory_space<vmem>>, vector<16xi32>,
    %add3A_50 = arith.constant 20480 : i32
    %add3A_51 = vector.broadcast %add3A_50 : i32 to vector<16xi32>
    %add3A_52 = arith.addi %mul3A_9, %add3A_51 : vector<16xi32>
    %add3A_53 = arith.addi %add3A_52, %get3A_49 : vector<16xi32>
    tpu.vector_store_idx %arg4[%add3A_53], %broadcast_in_dim3A_10 : memref<49152xf32, #tpu.memory_space<vmem>>[vector<16xi32>], vector<16xf32>,
    %get3A_54 = arith.constant 96 : index
    %get3A_55 = tpu.vector_load %arg6[%get3A_54] {strides = array<i32>} : memref<6144xi32, #tpu.memory_space<vmem>>, vector<16xi32>,
    %add3A_56 = arith.constant 24576 : i32
    %add3A_57 = vector.broadcast %add3A_56 : i32 to vector<16xi32>
    %add3A_58 = arith.addi %mul3A_9, %add3A_57 : vector<16xi32>
    %add3A_59 = arith.addi %add3A_58, %get3A_55 : vector<16xi32>
    tpu.vector_store_idx %arg4[%add3A_59], %broadcast_in_dim3A_10 : memref<49152xf32, #tpu.memory_space<vmem>>[vector<16xi32>], vector<16xf32>,
    %get3A_60 = arith.constant 112 : index
    %get3A_61 = tpu.vector_load %arg6[%get3A_60] {strides = array<i32>} : memref<6144xi32, #tpu.memory_space<vmem>>, vector<16xi32>,
    %add3A_62 = arith.constant 28672 : i32
    %add3A_63 = vector.broadcast %add3A_62 : i32 to vector<16xi32>
    %add3A_64 = arith.addi %mul3A_9, %add3A_63 : vector<16xi32>
    %add3A_65 = arith.addi %add3A_64, %get3A_61 : vector<16xi32>
    tpu.vector_store_idx %arg4[%add3A_65], %broadcast_in_dim3A_10 : memref<49152xf32, #tpu.memory_space<vmem>>[vector<16xi32>], vector<16xf32>,
    %get3A_66 = arith.constant 128 : index
    %get3A_67 = tpu.vector_load %arg6[%get3A_66] {strides = array<i32>} : memref<6144xi32, #tpu.memory_space<vmem>>, vector<16xi32>,
    %add3A_68 = arith.constant 32768 : i32
    %add3A_69 = vector.broadcast %add3A_68 : i32 to vector<16xi32>
    %add3A_70 = arith.addi %mul3A_9, %add3A_69 : vector<16xi32>
    %add3A_71 = arith.addi %add3A_70, %get3A_67 : vector<16xi32>
    tpu.vector_store_idx %arg4[%add3A_71], %broadcast_in_dim3A_10 : memref<49152xf32, #tpu.memory_space<vmem>>[vector<16xi32>], vector<16xf32>,
    %get3A_72 = arith.constant 144 : index
    %get3A_73 = tpu.vector_load %arg6[%get3A_72] {strides = array<i32>} : memref<6144xi32, #tpu.memory_space<vmem>>, vector<16xi32>,
    %add3A_74 = arith.constant 36864 : i32
    %add3A_75 = vector.broadcast %add3A_74 : i32 to vector<16xi32>
    %add3A_76 = arith.addi %mul3A_9, %add3A_75 : vector<16xi32>
    %add3A_77 = arith.addi %add3A_76, %get3A_73 : vector<16xi32>
    tpu.vector_store_idx %arg4[%add3A_77], %broadcast_in_dim3A_10 : memref<49152xf32, #tpu.memory_space<vmem>>[vector<16xi32>], vector<16xf32>,
    %get3A_78 = arith.constant 160 : index
    %get3A_79 = tpu.vector_load %arg6[%get3A_78] {strides = array<i32>} : memref<6144xi32, #tpu.memory_space<vmem>>, vector<16xi32>,
    %add3A_80 = arith.constant 40960 : i32
    %add3A_81 = vector.broadcast %add3A_80 : i32 to vector<16xi32>
    %add3A_82 = arith.addi %mul3A_9, %add3A_81 : vector<16xi32>
    %add3A_83 = arith.addi %add3A_82, %get3A_79 : vector<16xi32>
    tpu.vector_store_idx %arg4[%add3A_83], %broadcast_in_dim3A_10 : memref<49152xf32, #tpu.memory_space<vmem>>[vector<16xi32>], vector<16xf32>,
    %get3A_84 = arith.constant 176 : index
    %get3A_85 = tpu.vector_load %arg6[%get3A_84] {strides = array<i32>} : memref<6144xi32, #tpu.memory_space<vmem>>, vector<16xi32>,
    %add3A_86 = arith.constant 45056 : i32
    %add3A_87 = vector.broadcast %add3A_86 : i32 to vector<16xi32>
    %add3A_88 = arith.addi %mul3A_9, %add3A_87 : vector<16xi32>
    %add3A_89 = arith.addi %add3A_88, %get3A_85 : vector<16xi32>
    tpu.vector_store_idx %arg4[%add3A_89], %broadcast_in_dim3A_10 : memref<49152xf32, #tpu.memory_space<vmem>>[vector<16xi32>], vector<16xf32>,
    %add3A_90 = arith.constant 0 : i32
    %add3A_91 = arith.addi %mul3A_6, %add3A_90 : i32
    %dma_start3A_92 = tpu.memref_slice %arg3[%add3A_91] : memref<50331648xf32, #tpu.memory_space<hbm>> -> memref<49152xf32, #tpu.memory_space<hbm>>
    %dma_start3A_93 = tpu.memref_slice %arg3[%add3A_91] : memref<50331648xf32, #tpu.memory_space<hbm>> -> memref<49152xf32, #tpu.memory_space<hbm>>
    tpu.enqueue_dma source(%arg4 : memref<49152xf32, #tpu.memory_space<vmem>>) target(%dma_start3A_93 : memref<49152xf32, #tpu.memory_space<hbm>>) target_semaphore(%arg7 : memref<!tpu.dma_semaphore, #tpu.memory_space<semaphore_mem>>)
    %scan3A_94 = arith.constant 0 : i32
    %scan3A_95 = arith.constant 384 : i32
    %scan3A_96 = arith.addi %scan3A_94, %scan3A_95 : i32
    %scan3A_97 = arith.constant 1 : i32
    scf.for %scan3A_184 = %scan3A_94 to %scan3A_96 step %scan3A_97  : i32 {
      %mul3A_185 = arith.constant 1 : i32
      %mul3A_186 = arith.muli %scan3A_184, %mul3A_185 : i32
      %add3A_187 = arith.constant 0 : i32
      %add3A_188 = arith.addi %add3A_187, %mul3A_186 : i32
      %mul3A_189 = arith.constant 8 : i32
      %mul3A_190 = arith.muli %add3A_188, %mul3A_189 : i32
      %add3A_191 = arith.constant 0 : i32
      %add3A_192 = arith.addi %mul3A_190, %add3A_191 : i32
      %mul3A_193 = arith.constant 16 : i32
      %mul3A_194 = arith.muli %add3A_192, %mul3A_193 : i32
      %swap3A = arith.index_cast %mul3A_194 : i32 to index
      %swap3A_195 = tpu.vector_load %arg5[%swap3A] {strides = array<i32>} : memref<49152xf32, #tpu.memory_space<vmem>>, vector<16xf32>,
      tpu.vector_store %arg5[%swap3A], %broadcast_in_dim3A_12 {strides = array<i32>} : memref<49152xf32, #tpu.memory_space<vmem>>, vector<16xf32>,
      %mul3A_196 = arith.constant 8 : i32
      %mul3A_197 = arith.muli %add3A_188, %mul3A_196 : i32
      %add3A_198 = arith.constant 1 : i32
      %add3A_199 = arith.addi %mul3A_197, %add3A_198 : i32
      %mul3A_200 = arith.constant 16 : i32
      %mul3A_201 = arith.muli %add3A_199, %mul3A_200 : i32
      %swap3A_202 = arith.index_cast %mul3A_201 : i32 to index
      %swap3A_203 = tpu.vector_load %arg5[%swap3A_202] {strides = array<i32>} : memref<49152xf32, #tpu.memory_space<vmem>>, vector<16xf32>,
      tpu.vector_store %arg5[%swap3A_202], %broadcast_in_dim3A_12 {strides = array<i32>} : memref<49152xf32, #tpu.memory_space<vmem>>, vector<16xf32>,
      %mul3A_204 = arith.constant 8 : i32
      %mul3A_205 = arith.muli %add3A_188, %mul3A_204 : i32
      %add3A_206 = arith.constant 2 : i32
      %add3A_207 = arith.addi %mul3A_205, %add3A_206 : i32
      %mul3A_208 = arith.constant 16 : i32
      %mul3A_209 = arith.muli %add3A_207, %mul3A_208 : i32
      %swap3A_210 = arith.index_cast %mul3A_209 : i32 to index
      %swap3A_211 = tpu.vector_load %arg5[%swap3A_210] {strides = array<i32>} : memref<49152xf32, #tpu.memory_space<vmem>>, vector<16xf32>,
      tpu.vector_store %arg5[%swap3A_210], %broadcast_in_dim3A_12 {strides = array<i32>} : memref<49152xf32, #tpu.memory_space<vmem>>, vector<16xf32>,
      %mul3A_212 = arith.constant 8 : i32
      %mul3A_213 = arith.muli %add3A_188, %mul3A_212 : i32
      %add3A_214 = arith.constant 3 : i32
      %add3A_215 = arith.addi %mul3A_213, %add3A_214 : i32
      %mul3A_216 = arith.constant 16 : i32
      %mul3A_217 = arith.muli %add3A_215, %mul3A_216 : i32
      %swap3A_218 = arith.index_cast %mul3A_217 : i32 to index
      %swap3A_219 = tpu.vector_load %arg5[%swap3A_218] {strides = array<i32>} : memref<49152xf32, #tpu.memory_space<vmem>>, vector<16xf32>,
      tpu.vector_store %arg5[%swap3A_218], %broadcast_in_dim3A_12 {strides = array<i32>} : memref<49152xf32, #tpu.memory_space<vmem>>, vector<16xf32>,
      %mul3A_220 = arith.constant 8 : i32
      %mul3A_221 = arith.muli %add3A_188, %mul3A_220 : i32
      %add3A_222 = arith.constant 4 : i32
      %add3A_223 = arith.addi %mul3A_221, %add3A_222 : i32
      %mul3A_224 = arith.constant 16 : i32
      %mul3A_225 = arith.muli %add3A_223, %mul3A_224 : i32
      %swap3A_226 = arith.index_cast %mul3A_225 : i32 to index
      %swap3A_227 = tpu.vector_load %arg5[%swap3A_226] {strides = array<i32>} : memref<49152xf32, #tpu.memory_space<vmem>>, vector<16xf32>,
      tpu.vector_store %arg5[%swap3A_226], %broadcast_in_dim3A_12 {strides = array<i32>} : memref<49152xf32, #tpu.memory_space<vmem>>, vector<16xf32>,
      %mul3A_228 = arith.constant 8 : i32
      %mul3A_229 = arith.muli %add3A_188, %mul3A_228 : i32
      %add3A_230 = arith.constant 5 : i32
      %add3A_231 = arith.addi %mul3A_229, %add3A_230 : i32
      %mul3A_232 = arith.constant 16 : i32
      %mul3A_233 = arith.muli %add3A_231, %mul3A_232 : i32
      %swap3A_234 = arith.index_cast %mul3A_233 : i32 to index
      %swap3A_235 = tpu.vector_load %arg5[%swap3A_234] {strides = array<i32>} : memref<49152xf32, #tpu.memory_space<vmem>>, vector<16xf32>,
      tpu.vector_store %arg5[%swap3A_234], %broadcast_in_dim3A_12 {strides = array<i32>} : memref<49152xf32, #tpu.memory_space<vmem>>, vector<16xf32>,
      %mul3A_236 = arith.constant 8 : i32
      %mul3A_237 = arith.muli %add3A_188, %mul3A_236 : i32
      %add3A_238 = arith.constant 6 : i32
      %add3A_239 = arith.addi %mul3A_237, %add3A_238 : i32
      %mul3A_240 = arith.constant 16 : i32
      %mul3A_241 = arith.muli %add3A_239, %mul3A_240 : i32
      %swap3A_242 = arith.index_cast %mul3A_241 : i32 to index
      %swap3A_243 = tpu.vector_load %arg5[%swap3A_242] {strides = array<i32>} : memref<49152xf32, #tpu.memory_space<vmem>>, vector<16xf32>,
      tpu.vector_store %arg5[%swap3A_242], %broadcast_in_dim3A_12 {strides = array<i32>} : memref<49152xf32, #tpu.memory_space<vmem>>, vector<16xf32>,
      %mul3A_244 = arith.constant 8 : i32
      %mul3A_245 = arith.muli %add3A_188, %mul3A_244 : i32
      %add3A_246 = arith.constant 7 : i32
      %add3A_247 = arith.addi %mul3A_245, %add3A_246 : i32
      %mul3A_248 = arith.constant 16 : i32
      %mul3A_249 = arith.muli %add3A_247, %mul3A_248 : i32
      %swap3A_250 = arith.index_cast %mul3A_249 : i32 to index
      %swap3A_251 = tpu.vector_load %arg5[%swap3A_250] {strides = array<i32>} : memref<49152xf32, #tpu.memory_space<vmem>>, vector<16xf32>,
      tpu.vector_store %arg5[%swap3A_250], %broadcast_in_dim3A_12 {strides = array<i32>} : memref<49152xf32, #tpu.memory_space<vmem>>, vector<16xf32>,
    }
    %scan3A_98 = arith.constant 384 : i32
    %get3A_99 = arith.constant 192 : index
    %get3A_100 = tpu.vector_load %arg6[%get3A_99] {strides = array<i32>} : memref<6144xi32, #tpu.memory_space<vmem>>, vector<16xi32>,
    %add3A_101 = arith.constant 0 : i32
    %add3A_102 = vector.broadcast %add3A_101 : i32 to vector<16xi32>
    %add3A_103 = arith.addi %mul3A_9, %add3A_102 : vector<16xi32>
    %add3A_104 = arith.addi %add3A_103, %get3A_100 : vector<16xi32>
    tpu.vector_store_idx %arg5[%add3A_104], %broadcast_in_dim3A_10 : memref<49152xf32, #tpu.memory_space<vmem>>[vector<16xi32>], vector<16xf32>,
    %get3A_105 = arith.constant 208 : index
    %get3A_106 = tpu.vector_load %arg6[%get3A_105] {strides = array<i32>} : memref<6144xi32, #tpu.memory_space<vmem>>, vector<16xi32>,
    %add3A_107 = arith.constant 4096 : i32
    %add3A_108 = vector.broadcast %add3A_107 : i32 to vector<16xi32>
    %add3A_109 = arith.addi %mul3A_9, %add3A_108 : vector<16xi32>
    %add3A_110 = arith.addi %add3A_109, %get3A_106 : vector<16xi32>
    tpu.vector_store_idx %arg5[%add3A_110], %broadcast_in_dim3A_10 : memref<49152xf32, #tpu.memory_space<vmem>>[vector<16xi32>], vector<16xf32>,
    %get3A_111 = arith.constant 224 : index
    %get3A_112 = tpu.vector_load %arg6[%get3A_111] {strides = array<i32>} : memref<6144xi32, #tpu.memory_space<vmem>>, vector<16xi32>,
    %add3A_113 = arith.constant 8192 : i32
    %add3A_114 = vector.broadcast %add3A_113 : i32 to vector<16xi32>
    %add3A_115 = arith.addi %mul3A_9, %add3A_114 : vector<16xi32>
    %add3A_116 = arith.addi %add3A_115, %get3A_112 : vector<16xi32>
    tpu.vector_store_idx %arg5[%add3A_116], %broadcast_in_dim3A_10 : memref<49152xf32, #tpu.memory_space<vmem>>[vector<16xi32>], vector<16xf32>,
    %get3A_117 = arith.constant 240 : index
    %get3A_118 = tpu.vector_load %arg6[%get3A_117] {strides = array<i32>} : memref<6144xi32, #tpu.memory_space<vmem>>, vector<16xi32>,
    %add3A_119 = arith.constant 12288 : i32
    %add3A_120 = vector.broadcast %add3A_119 : i32 to vector<16xi32>
    %add3A_121 = arith.addi %mul3A_9, %add3A_120 : vector<16xi32>
    %add3A_122 = arith.addi %add3A_121, %get3A_118 : vector<16xi32>
    tpu.vector_store_idx %arg5[%add3A_122], %broadcast_in_dim3A_10 : memref<49152xf32, #tpu.memory_space<vmem>>[vector<16xi32>], vector<16xf32>,
    %get3A_123 = arith.constant 256 : index
    %get3A_124 = tpu.vector_load %arg6[%get3A_123] {strides = array<i32>} : memref<6144xi32, #tpu.memory_space<vmem>>, vector<16xi32>,
    %add3A_125 = arith.constant 16384 : i32
    %add3A_126 = vector.broadcast %add3A_125 : i32 to vector<16xi32>
    %add3A_127 = arith.addi %mul3A_9, %add3A_126 : vector<16xi32>
    %add3A_128 = arith.addi %add3A_127, %get3A_124 : vector<16xi32>
    tpu.vector_store_idx %arg5[%add3A_128], %broadcast_in_dim3A_10 : memref<49152xf32, #tpu.memory_space<vmem>>[vector<16xi32>], vector<16xf32>,
    %get3A_129 = arith.constant 272 : index
    %get3A_130 = tpu.vector_load %arg6[%get3A_129] {strides = array<i32>} : memref<6144xi32, #tpu.memory_space<vmem>>, vector<16xi32>,
    %add3A_131 = arith.constant 20480 : i32
    %add3A_132 = vector.broadcast %add3A_131 : i32 to vector<16xi32>
    %add3A_133 = arith.addi %mul3A_9, %add3A_132 : vector<16xi32>
    %add3A_134 = arith.addi %add3A_133, %get3A_130 : vector<16xi32>
    tpu.vector_store_idx %arg5[%add3A_134], %broadcast_in_dim3A_10 : memref<49152xf32, #tpu.memory_space<vmem>>[vector<16xi32>], vector<16xf32>,
    %get3A_135 = arith.constant 288 : index
    %get3A_136 = tpu.vector_load %arg6[%get3A_135] {strides = array<i32>} : memref<6144xi32, #tpu.memory_space<vmem>>, vector<16xi32>,
    %add3A_137 = arith.constant 24576 : i32
    %add3A_138 = vector.broadcast %add3A_137 : i32 to vector<16xi32>
    %add3A_139 = arith.addi %mul3A_9, %add3A_138 : vector<16xi32>
    %add3A_140 = arith.addi %add3A_139, %get3A_136 : vector<16xi32>
    tpu.vector_store_idx %arg5[%add3A_140], %broadcast_in_dim3A_10 : memref<49152xf32, #tpu.memory_space<vmem>>[vector<16xi32>], vector<16xf32>,
    %get3A_141 = arith.constant 304 : index
    %get3A_142 = tpu.vector_load %arg6[%get3A_141] {strides = array<i32>} : memref<6144xi32, #tpu.memory_space<vmem>>, vector<16xi32>,
    %add3A_143 = arith.constant 28672 : i32
    %add3A_144 = vector.broadcast %add3A_143 : i32 to vector<16xi32>
    %add3A_145 = arith.addi %mul3A_9, %add3A_144 : vector<16xi32>
    %add3A_146 = arith.addi %add3A_145, %get3A_142 : vector<16xi32>
    tpu.vector_store_idx %arg5[%add3A_146], %broadcast_in_dim3A_10 : memref<49152xf32, #tpu.memory_space<vmem>>[vector<16xi32>], vector<16xf32>,
    %get3A_147 = arith.constant 320 : index
    %get3A_148 = tpu.vector_load %arg6[%get3A_147] {strides = array<i32>} : memref<6144xi32, #tpu.memory_space<vmem>>, vector<16xi32>,
    %add3A_149 = arith.constant 32768 : i32
    %add3A_150 = vector.broadcast %add3A_149 : i32 to vector<16xi32>
    %add3A_151 = arith.addi %mul3A_9, %add3A_150 : vector<16xi32>
    %add3A_152 = arith.addi %add3A_151, %get3A_148 : vector<16xi32>
    tpu.vector_store_idx %arg5[%add3A_152], %broadcast_in_dim3A_10 : memref<49152xf32, #tpu.memory_space<vmem>>[vector<16xi32>], vector<16xf32>,
    %get3A_153 = arith.constant 336 : index
    %get3A_154 = tpu.vector_load %arg6[%get3A_153] {strides = array<i32>} : memref<6144xi32, #tpu.memory_space<vmem>>, vector<16xi32>,
    %add3A_155 = arith.constant 36864 : i32
    %add3A_156 = vector.broadcast %add3A_155 : i32 to vector<16xi32>
    %add3A_157 = arith.addi %mul3A_9, %add3A_156 : vector<16xi32>
    %add3A_158 = arith.addi %add3A_157, %get3A_154 : vector<16xi32>
    tpu.vector_store_idx %arg5[%add3A_158], %broadcast_in_dim3A_10 : memref<49152xf32, #tpu.memory_space<vmem>>[vector<16xi32>], vector<16xf32>,
    %get3A_159 = arith.constant 352 : index
    %get3A_160 = tpu.vector_load %arg6[%get3A_159] {strides = array<i32>} : memref<6144xi32, #tpu.memory_space<vmem>>, vector<16xi32>,
    %add3A_161 = arith.constant 40960 : i32
    %add3A_162 = vector.broadcast %add3A_161 : i32 to vector<16xi32>
    %add3A_163 = arith.addi %mul3A_9, %add3A_162 : vector<16xi32>
    %add3A_164 = arith.addi %add3A_163, %get3A_160 : vector<16xi32>
    tpu.vector_store_idx %arg5[%add3A_164], %broadcast_in_dim3A_10 : memref<49152xf32, #tpu.memory_space<vmem>>[vector<16xi32>], vector<16xf32>,
    %get3A_165 = arith.constant 368 : index
    %get3A_166 = tpu.vector_load %arg6[%get3A_165] {strides = array<i32>} : memref<6144xi32, #tpu.memory_space<vmem>>, vector<16xi32>,
    %add3A_167 = arith.constant 45056 : i32
    %add3A_168 = vector.broadcast %add3A_167 : i32 to vector<16xi32>
    %add3A_169 = arith.addi %mul3A_9, %add3A_168 : vector<16xi32>
    %add3A_170 = arith.addi %add3A_169, %get3A_166 : vector<16xi32>
    tpu.vector_store_idx %arg5[%add3A_170], %broadcast_in_dim3A_10 : memref<49152xf32, #tpu.memory_space<vmem>>[vector<16xi32>], vector<16xf32>,
    %add3A_171 = arith.constant 49152 : i32
    %add3A_172 = arith.addi %mul3A_6, %add3A_171 : i32
    %dma_start3A_173 = tpu.memref_slice %arg3[%add3A_172] : memref<50331648xf32, #tpu.memory_space<hbm>> -> memref<49152xf32, #tpu.memory_space<hbm>>
    %dma_start3A_174 = tpu.memref_slice %arg3[%add3A_172] : memref<50331648xf32, #tpu.memory_space<hbm>> -> memref<49152xf32, #tpu.memory_space<hbm>>
    tpu.enqueue_dma source(%arg5 : memref<49152xf32, #tpu.memory_space<vmem>>) target(%dma_start3A_174 : memref<49152xf32, #tpu.memory_space<hbm>>) target_semaphore(%arg8 : memref<!tpu.dma_semaphore, #tpu.memory_space<semaphore_mem>>)
    %scan3A_175 = arith.constant 0 : i32
    %scan3A_176 = arith.constant 15 : i32
    %scan3A_177 = arith.addi %scan3A_175, %scan3A_176 : i32
    %scan3A_178 = arith.constant 1 : i32
    scf.for %scan3A_184 = %scan3A_175 to %scan3A_177 step %scan3A_178  : i32 {
      %mul3A_185 = arith.constant 1 : i32
      %mul3A_186 = arith.muli %scan3A_184, %mul3A_185 : i32
      %add3A_187 = arith.constant 1 : i32
      %add3A_188 = arith.addi %add3A_187, %mul3A_186 : i32
      %dma_wait3A_189 = tpu.memref_slice %arg3[%mul3A_6] : memref<50331648xf32, #tpu.memory_space<hbm>> -> memref<49152xf32, #tpu.memory_space<hbm>>
      %dma_wait3A_190 = tpu.memref_slice %arg3[%mul3A_6] : memref<50331648xf32, #tpu.memory_space<hbm>> -> memref<49152xf32, #tpu.memory_space<hbm>>
      tpu.wait_dma2 semaphore(%arg7 : memref<!tpu.dma_semaphore, #tpu.memory_space<semaphore_mem>>) src(%arg4 : memref<49152xf32, #tpu.memory_space<vmem>>) dst(%dma_wait3A_190 : memref<49152xf32, #tpu.memory_space<hbm>>)
      %sub3A = arith.constant 1 : i32
      %sub3A_191 = arith.subi %add3A_188, %sub3A : i32
      %mul3A_192 = arith.constant 2 : i32
      %mul3A_193 = arith.muli %mul3A_192, %sub3A_191 : i32
      %add3A_194 = arith.constant 0 : i32
      %add3A_195 = arith.addi %mul3A_193, %add3A_194 : i32
      %mul3A_196 = arith.constant 192 : i32
      %mul3A_197 = arith.muli %add3A_195, %mul3A_196 : i32
      %add3A_198 = arith.constant 0 : i32
      %add3A_199 = arith.addi %mul3A_197, %add3A_198 : i32
      %get3A_200 = arith.index_cast %add3A_199 : i32 to index
      %get3A_201 = tpu.vector_load %arg6[%get3A_200] {strides = array<i32>} : memref<6144xi32, #tpu.memory_space<vmem>>, vector<16xi32>,
      %add3A_202 = arith.constant 0 : i32
      %add3A_203 = vector.broadcast %add3A_202 : i32 to vector<16xi32>
      %add3A_204 = arith.addi %mul3A_9, %add3A_203 : vector<16xi32>
      %add3A_205 = arith.addi %add3A_204, %get3A_201 : vector<16xi32>
      tpu.vector_store_idx %arg4[%add3A_205], %broadcast_in_dim3A_12 : memref<49152xf32, #tpu.memory_space<vmem>>[vector<16xi32>], vector<16xf32>,
      %mul3A_206 = arith.constant 192 : i32
      %mul3A_207 = arith.muli %add3A_195, %mul3A_206 : i32
      %add3A_208 = arith.constant 16 : i32
      %add3A_209 = arith.addi %mul3A_207, %add3A_208 : i32
      %get3A_210 = arith.index_cast %add3A_209 : i32 to index
      %get3A_211 = tpu.vector_load %arg6[%get3A_210] {strides = array<i32>} : memref<6144xi32, #tpu.memory_space<vmem>>, vector<16xi32>,
      %add3A_212 = arith.constant 4096 : i32
      %add3A_213 = vector.broadcast %add3A_212 : i32 to vector<16xi32>
      %add3A_214 = arith.addi %mul3A_9, %add3A_213 : vector<16xi32>
      %add3A_215 = arith.addi %add3A_214, %get3A_211 : vector<16xi32>
      tpu.vector_store_idx %arg4[%add3A_215], %broadcast_in_dim3A_12 : memref<49152xf32, #tpu.memory_space<vmem>>[vector<16xi32>], vector<16xf32>,
      %mul3A_216 = arith.constant 192 : i32
      %mul3A_217 = arith.muli %add3A_195, %mul3A_216 : i32
      %add3A_218 = arith.constant 32 : i32
      %add3A_219 = arith.addi %mul3A_217, %add3A_218 : i32
      %get3A_220 = arith.index_cast %add3A_219 : i32 to index
      %get3A_221 = tpu.vector_load %arg6[%get3A_220] {strides = array<i32>} : memref<6144xi32, #tpu.memory_space<vmem>>, vector<16xi32>,
      %add3A_222 = arith.constant 8192 : i32
      %add3A_223 = vector.broadcast %add3A_222 : i32 to vector<16xi32>
      %add3A_224 = arith.addi %mul3A_9, %add3A_223 : vector<16xi32>
      %add3A_225 = arith.addi %add3A_224, %get3A_221 : vector<16xi32>
      tpu.vector_store_idx %arg4[%add3A_225], %broadcast_in_dim3A_12 : memref<49152xf32, #tpu.memory_space<vmem>>[vector<16xi32>], vector<16xf32>,
      %mul3A_226 = arith.constant 192 : i32
      %mul3A_227 = arith.muli %add3A_195, %mul3A_226 : i32
      %add3A_228 = arith.constant 48 : i32
      %add3A_229 = arith.addi %mul3A_227, %add3A_228 : i32
      %get3A_230 = arith.index_cast %add3A_229 : i32 to index
      %get3A_231 = tpu.vector_load %arg6[%get3A_230] {strides = array<i32>} : memref<6144xi32, #tpu.memory_space<vmem>>, vector<16xi32>,
      %add3A_232 = arith.constant 12288 : i32
      %add3A_233 = vector.broadcast %add3A_232 : i32 to vector<16xi32>
      %add3A_234 = arith.addi %mul3A_9, %add3A_233 : vector<16xi32>
      %add3A_235 = arith.addi %add3A_234, %get3A_231 : vector<16xi32>
      tpu.vector_store_idx %arg4[%add3A_235], %broadcast_in_dim3A_12 : memref<49152xf32, #tpu.memory_space<vmem>>[vector<16xi32>], vector<16xf32>,
      %mul3A_236 = arith.constant 192 : i32
      %mul3A_237 = arith.muli %add3A_195, %mul3A_236 : i32
      %add3A_238 = arith.constant 64 : i32
      %add3A_239 = arith.addi %mul3A_237, %add3A_238 : i32
      %get3A_240 = arith.index_cast %add3A_239 : i32 to index
      %get3A_241 = tpu.vector_load %arg6[%get3A_240] {strides = array<i32>} : memref<6144xi32, #tpu.memory_space<vmem>>, vector<16xi32>,
      %add3A_242 = arith.constant 16384 : i32
      %add3A_243 = vector.broadcast %add3A_242 : i32 to vector<16xi32>
      %add3A_244 = arith.addi %mul3A_9, %add3A_243 : vector<16xi32>
      %add3A_245 = arith.addi %add3A_244, %get3A_241 : vector<16xi32>
      tpu.vector_store_idx %arg4[%add3A_245], %broadcast_in_dim3A_12 : memref<49152xf32, #tpu.memory_space<vmem>>[vector<16xi32>], vector<16xf32>,
      %mul3A_246 = arith.constant 192 : i32
      %mul3A_247 = arith.muli %add3A_195, %mul3A_246 : i32
      %add3A_248 = arith.constant 80 : i32
      %add3A_249 = arith.addi %mul3A_247, %add3A_248 : i32
      %get3A_250 = arith.index_cast %add3A_249 : i32 to index
      %get3A_251 = tpu.vector_load %arg6[%get3A_250] {strides = array<i32>} : memref<6144xi32, #tpu.memory_space<vmem>>, vector<16xi32>,
      %add3A_252 = arith.constant 20480 : i32
      %add3A_253 = vector.broadcast %add3A_252 : i32 to vector<16xi32>
      %add3A_254 = arith.addi %mul3A_9, %add3A_253 : vector<16xi32>
      %add3A_255 = arith.addi %add3A_254, %get3A_251 : vector<16xi32>
      tpu.vector_store_idx %arg4[%add3A_255], %broadcast_in_dim3A_12 : memref<49152xf32, #tpu.memory_space<vmem>>[vector<16xi32>], vector<16xf32>,
      %mul3A_256 = arith.constant 192 : i32
      %mul3A_257 = arith.muli %add3A_195, %mul3A_256 : i32
      %add3A_258 = arith.constant 96 : i32
      %add3A_259 = arith.addi %mul3A_257, %add3A_258 : i32
      %get3A_260 = arith.index_cast %add3A_259 : i32 to index
      %get3A_261 = tpu.vector_load %arg6[%get3A_260] {strides = array<i32>} : memref<6144xi32, #tpu.memory_space<vmem>>, vector<16xi32>,
      %add3A_262 = arith.constant 24576 : i32
      %add3A_263 = vector.broadcast %add3A_262 : i32 to vector<16xi32>
      %add3A_264 = arith.addi %mul3A_9, %add3A_263 : vector<16xi32>
      %add3A_265 = arith.addi %add3A_264, %get3A_261 : vector<16xi32>
      tpu.vector_store_idx %arg4[%add3A_265], %broadcast_in_dim3A_12 : memref<49152xf32, #tpu.memory_space<vmem>>[vector<16xi32>], vector<16xf32>,
      %mul3A_266 = arith.constant 192 : i32
      %mul3A_267 = arith.muli %add3A_195, %mul3A_266 : i32
      %add3A_268 = arith.constant 112 : i32
      %add3A_269 = arith.addi %mul3A_267, %add3A_268 : i32
      %get3A_270 = arith.index_cast %add3A_269 : i32 to index
      %get3A_271 = tpu.vector_load %arg6[%get3A_270] {strides = array<i32>} : memref<6144xi32, #tpu.memory_space<vmem>>, vector<16xi32>,
      %add3A_272 = arith.constant 28672 : i32
      %add3A_273 = vector.broadcast %add3A_272 : i32 to vector<16xi32>
      %add3A_274 = arith.addi %mul3A_9, %add3A_273 : vector<16xi32>
      %add3A_275 = arith.addi %add3A_274, %get3A_271 : vector<16xi32>
      tpu.vector_store_idx %arg4[%add3A_275], %broadcast_in_dim3A_12 : memref<49152xf32, #tpu.memory_space<vmem>>[vector<16xi32>], vector<16xf32>,
      %mul3A_276 = arith.constant 192 : i32
      %mul3A_277 = arith.muli %add3A_195, %mul3A_276 : i32
      %add3A_278 = arith.constant 128 : i32
      %add3A_279 = arith.addi %mul3A_277, %add3A_278 : i32
      %get3A_280 = arith.index_cast %add3A_279 : i32 to index
      %get3A_281 = tpu.vector_load %arg6[%get3A_280] {strides = array<i32>} : memref<6144xi32, #tpu.memory_space<vmem>>, vector<16xi32>,
      %add3A_282 = arith.constant 32768 : i32
      %add3A_283 = vector.broadcast %add3A_282 : i32 to vector<16xi32>
      %add3A_284 = arith.addi %mul3A_9, %add3A_283 : vector<16xi32>
      %add3A_285 = arith.addi %add3A_284, %get3A_281 : vector<16xi32>
      tpu.vector_store_idx %arg4[%add3A_285], %broadcast_in_dim3A_12 : memref<49152xf32, #tpu.memory_space<vmem>>[vector<16xi32>], vector<16xf32>,
      %mul3A_286 = arith.constant 192 : i32
      %mul3A_287 = arith.muli %add3A_195, %mul3A_286 : i32
      %add3A_288 = arith.constant 144 : i32
      %add3A_289 = arith.addi %mul3A_287, %add3A_288 : i32
      %get3A_290 = arith.index_cast %add3A_289 : i32 to index
      %get3A_291 = tpu.vector_load %arg6[%get3A_290] {strides = array<i32>} : memref<6144xi32, #tpu.memory_space<vmem>>, vector<16xi32>,
      %add3A_292 = arith.constant 36864 : i32
      %add3A_293 = vector.broadcast %add3A_292 : i32 to vector<16xi32>
      %add3A_294 = arith.addi %mul3A_9, %add3A_293 : vector<16xi32>
      %add3A_295 = arith.addi %add3A_294, %get3A_291 : vector<16xi32>
      tpu.vector_store_idx %arg4[%add3A_295], %broadcast_in_dim3A_12 : memref<49152xf32, #tpu.memory_space<vmem>>[vector<16xi32>], vector<16xf32>,
      %mul3A_296 = arith.constant 192 : i32
      %mul3A_297 = arith.muli %add3A_195, %mul3A_296 : i32
      %add3A_298 = arith.constant 160 : i32
      %add3A_299 = arith.addi %mul3A_297, %add3A_298 : i32
      %get3A_300 = arith.index_cast %add3A_299 : i32 to index
      %get3A_301 = tpu.vector_load %arg6[%get3A_300] {strides = array<i32>} : memref<6144xi32, #tpu.memory_space<vmem>>, vector<16xi32>,
      %add3A_302 = arith.constant 40960 : i32
      %add3A_303 = vector.broadcast %add3A_302 : i32 to vector<16xi32>
      %add3A_304 = arith.addi %mul3A_9, %add3A_303 : vector<16xi32>
      %add3A_305 = arith.addi %add3A_304, %get3A_301 : vector<16xi32>
      tpu.vector_store_idx %arg4[%add3A_305], %broadcast_in_dim3A_12 : memref<49152xf32, #tpu.memory_space<vmem>>[vector<16xi32>], vector<16xf32>,
      %mul3A_306 = arith.constant 192 : i32
      %mul3A_307 = arith.muli %add3A_195, %mul3A_306 : i32
      %add3A_308 = arith.constant 176 : i32
      %add3A_309 = arith.addi %mul3A_307, %add3A_308 : i32
      %get3A_310 = arith.index_cast %add3A_309 : i32 to index
      %get3A_311 = tpu.vector_load %arg6[%get3A_310] {strides = array<i32>} : memref<6144xi32, #tpu.memory_space<vmem>>, vector<16xi32>,
      %add3A_312 = arith.constant 45056 : i32
      %add3A_313 = vector.broadcast %add3A_312 : i32 to vector<16xi32>
      %add3A_314 = arith.addi %mul3A_9, %add3A_313 : vector<16xi32>
      %add3A_315 = arith.addi %add3A_314, %get3A_311 : vector<16xi32>
      tpu.vector_store_idx %arg4[%add3A_315], %broadcast_in_dim3A_12 : memref<49152xf32, #tpu.memory_space<vmem>>[vector<16xi32>], vector<16xf32>,
      %mul3A_316 = arith.constant 2 : i32
      %mul3A_317 = arith.muli %mul3A_316, %add3A_188 : i32
      %add3A_318 = arith.constant 0 : i32
      %add3A_319 = arith.addi %mul3A_317, %add3A_318 : i32
      %mul3A_320 = arith.constant 192 : i32
      %mul3A_321 = arith.muli %add3A_319, %mul3A_320 : i32
      %add3A_322 = arith.constant 0 : i32
      %add3A_323 = arith.addi %mul3A_321, %add3A_322 : i32
      %get3A_324 = arith.index_cast %add3A_323 : i32 to index
      %get3A_325 = tpu.vector_load %arg6[%get3A_324] {strides = array<i32>} : memref<6144xi32, #tpu.memory_space<vmem>>, vector<16xi32>,
      %add3A_326 = arith.constant 0 : i32
      %add3A_327 = vector.broadcast %add3A_326 : i32 to vector<16xi32>
      %add3A_328 = arith.addi %mul3A_9, %add3A_327 : vector<16xi32>
      %add3A_329 = arith.addi %add3A_328, %get3A_325 : vector<16xi32>
      tpu.vector_store_idx %arg4[%add3A_329], %broadcast_in_dim3A_10 : memref<49152xf32, #tpu.memory_space<vmem>>[vector<16xi32>], vector<16xf32>,
      %mul3A_330 = arith.constant 192 : i32
      %mul3A_331 = arith.muli %add3A_319, %mul3A_330 : i32
      %add3A_332 = arith.constant 16 : i32
      %add3A_333 = arith.addi %mul3A_331, %add3A_332 : i32
      %get3A_334 = arith.index_cast %add3A_333 : i32 to index
      %get3A_335 = tpu.vector_load %arg6[%get3A_334] {strides = array<i32>} : memref<6144xi32, #tpu.memory_space<vmem>>, vector<16xi32>,
      %add3A_336 = arith.constant 4096 : i32
      %add3A_337 = vector.broadcast %add3A_336 : i32 to vector<16xi32>
      %add3A_338 = arith.addi %mul3A_9, %add3A_337 : vector<16xi32>
      %add3A_339 = arith.addi %add3A_338, %get3A_335 : vector<16xi32>
      tpu.vector_store_idx %arg4[%add3A_339], %broadcast_in_dim3A_10 : memref<49152xf32, #tpu.memory_space<vmem>>[vector<16xi32>], vector<16xf32>,
      %mul3A_340 = arith.constant 192 : i32
      %mul3A_341 = arith.muli %add3A_319, %mul3A_340 : i32
      %add3A_342 = arith.constant 32 : i32
      %add3A_343 = arith.addi %mul3A_341, %add3A_342 : i32
      %get3A_344 = arith.index_cast %add3A_343 : i32 to index
      %get3A_345 = tpu.vector_load %arg6[%get3A_344] {strides = array<i32>} : memref<6144xi32, #tpu.memory_space<vmem>>, vector<16xi32>,
      %add3A_346 = arith.constant 8192 : i32
      %add3A_347 = vector.broadcast %add3A_346 : i32 to vector<16xi32>
      %add3A_348 = arith.addi %mul3A_9, %add3A_347 : vector<16xi32>
      %add3A_349 = arith.addi %add3A_348, %get3A_345 : vector<16xi32>
      tpu.vector_store_idx %arg4[%add3A_349], %broadcast_in_dim3A_10 : memref<49152xf32, #tpu.memory_space<vmem>>[vector<16xi32>], vector<16xf32>,
      %mul3A_350 = arith.constant 192 : i32
      %mul3A_351 = arith.muli %add3A_319, %mul3A_350 : i32
      %add3A_352 = arith.constant 48 : i32
      %add3A_353 = arith.addi %mul3A_351, %add3A_352 : i32
      %get3A_354 = arith.index_cast %add3A_353 : i32 to index
      %get3A_355 = tpu.vector_load %arg6[%get3A_354] {strides = array<i32>} : memref<6144xi32, #tpu.memory_space<vmem>>, vector<16xi32>,
      %add3A_356 = arith.constant 12288 : i32
      %add3A_357 = vector.broadcast %add3A_356 : i32 to vector<16xi32>
      %add3A_358 = arith.addi %mul3A_9, %add3A_357 : vector<16xi32>
      %add3A_359 = arith.addi %add3A_358, %get3A_355 : vector<16xi32>
      tpu.vector_store_idx %arg4[%add3A_359], %broadcast_in_dim3A_10 : memref<49152xf32, #tpu.memory_space<vmem>>[vector<16xi32>], vector<16xf32>,
      %mul3A_360 = arith.constant 192 : i32
      %mul3A_361 = arith.muli %add3A_319, %mul3A_360 : i32
      %add3A_362 = arith.constant 64 : i32
      %add3A_363 = arith.addi %mul3A_361, %add3A_362 : i32
      %get3A_364 = arith.index_cast %add3A_363 : i32 to index
      %get3A_365 = tpu.vector_load %arg6[%get3A_364] {strides = array<i32>} : memref<6144xi32, #tpu.memory_space<vmem>>, vector<16xi32>,
      %add3A_366 = arith.constant 16384 : i32
      %add3A_367 = vector.broadcast %add3A_366 : i32 to vector<16xi32>
      %add3A_368 = arith.addi %mul3A_9, %add3A_367 : vector<16xi32>
      %add3A_369 = arith.addi %add3A_368, %get3A_365 : vector<16xi32>
      tpu.vector_store_idx %arg4[%add3A_369], %broadcast_in_dim3A_10 : memref<49152xf32, #tpu.memory_space<vmem>>[vector<16xi32>], vector<16xf32>,
      %mul3A_370 = arith.constant 192 : i32
      %mul3A_371 = arith.muli %add3A_319, %mul3A_370 : i32
      %add3A_372 = arith.constant 80 : i32
      %add3A_373 = arith.addi %mul3A_371, %add3A_372 : i32
      %get3A_374 = arith.index_cast %add3A_373 : i32 to index
      %get3A_375 = tpu.vector_load %arg6[%get3A_374] {strides = array<i32>} : memref<6144xi32, #tpu.memory_space<vmem>>, vector<16xi32>,
      %add3A_376 = arith.constant 20480 : i32
      %add3A_377 = vector.broadcast %add3A_376 : i32 to vector<16xi32>
      %add3A_378 = arith.addi %mul3A_9, %add3A_377 : vector<16xi32>
      %add3A_379 = arith.addi %add3A_378, %get3A_375 : vector<16xi32>
      tpu.vector_store_idx %arg4[%add3A_379], %broadcast_in_dim3A_10 : memref<49152xf32, #tpu.memory_space<vmem>>[vector<16xi32>], vector<16xf32>,
      %mul3A_380 = arith.constant 192 : i32
      %mul3A_381 = arith.muli %add3A_319, %mul3A_380 : i32
      %add3A_382 = arith.constant 96 : i32
      %add3A_383 = arith.addi %mul3A_381, %add3A_382 : i32
      %get3A_384 = arith.index_cast %add3A_383 : i32 to index
      %get3A_385 = tpu.vector_load %arg6[%get3A_384] {strides = array<i32>} : memref<6144xi32, #tpu.memory_space<vmem>>, vector<16xi32>,
      %add3A_386 = arith.constant 24576 : i32
      %add3A_387 = vector.broadcast %add3A_386 : i32 to vector<16xi32>
      %add3A_388 = arith.addi %mul3A_9, %add3A_387 : vector<16xi32>
      %add3A_389 = arith.addi %add3A_388, %get3A_385 : vector<16xi32>
      tpu.vector_store_idx %arg4[%add3A_389], %broadcast_in_dim3A_10 : memref<49152xf32, #tpu.memory_space<vmem>>[vector<16xi32>], vector<16xf32>,
      %mul3A_390 = arith.constant 192 : i32
      %mul3A_391 = arith.muli %add3A_319, %mul3A_390 : i32
      %add3A_392 = arith.constant 112 : i32
      %add3A_393 = arith.addi %mul3A_391, %add3A_392 : i32
      %get3A_394 = arith.index_cast %add3A_393 : i32 to index
      %get3A_395 = tpu.vector_load %arg6[%get3A_394] {strides = array<i32>} : memref<6144xi32, #tpu.memory_space<vmem>>, vector<16xi32>,
      %add3A_396 = arith.constant 28672 : i32
      %add3A_397 = vector.broadcast %add3A_396 : i32 to vector<16xi32>
      %add3A_398 = arith.addi %mul3A_9, %add3A_397 : vector<16xi32>
      %add3A_399 = arith.addi %add3A_398, %get3A_395 : vector<16xi32>
      tpu.vector_store_idx %arg4[%add3A_399], %broadcast_in_dim3A_10 : memref<49152xf32, #tpu.memory_space<vmem>>[vector<16xi32>], vector<16xf32>,
      %mul3A_400 = arith.constant 192 : i32
      %mul3A_401 = arith.muli %add3A_319, %mul3A_400 : i32
      %add3A_402 = arith.constant 128 : i32
      %add3A_403 = arith.addi %mul3A_401, %add3A_402 : i32
      %get3A_404 = arith.index_cast %add3A_403 : i32 to index
      %get3A_405 = tpu.vector_load %arg6[%get3A_404] {strides = array<i32>} : memref<6144xi32, #tpu.memory_space<vmem>>, vector<16xi32>,
      %add3A_406 = arith.constant 32768 : i32
      %add3A_407 = vector.broadcast %add3A_406 : i32 to vector<16xi32>
      %add3A_408 = arith.addi %mul3A_9, %add3A_407 : vector<16xi32>
      %add3A_409 = arith.addi %add3A_408, %get3A_405 : vector<16xi32>
      tpu.vector_store_idx %arg4[%add3A_409], %broadcast_in_dim3A_10 : memref<49152xf32, #tpu.memory_space<vmem>>[vector<16xi32>], vector<16xf32>,
      %mul3A_410 = arith.constant 192 : i32
      %mul3A_411 = arith.muli %add3A_319, %mul3A_410 : i32
      %add3A_412 = arith.constant 144 : i32
      %add3A_413 = arith.addi %mul3A_411, %add3A_412 : i32
      %get3A_414 = arith.index_cast %add3A_413 : i32 to index
      %get3A_415 = tpu.vector_load %arg6[%get3A_414] {strides = array<i32>} : memref<6144xi32, #tpu.memory_space<vmem>>, vector<16xi32>,
      %add3A_416 = arith.constant 36864 : i32
      %add3A_417 = vector.broadcast %add3A_416 : i32 to vector<16xi32>
      %add3A_418 = arith.addi %mul3A_9, %add3A_417 : vector<16xi32>
      %add3A_419 = arith.addi %add3A_418, %get3A_415 : vector<16xi32>
      tpu.vector_store_idx %arg4[%add3A_419], %broadcast_in_dim3A_10 : memref<49152xf32, #tpu.memory_space<vmem>>[vector<16xi32>], vector<16xf32>,
      %mul3A_420 = arith.constant 192 : i32
      %mul3A_421 = arith.muli %add3A_319, %mul3A_420 : i32
      %add3A_422 = arith.constant 160 : i32
      %add3A_423 = arith.addi %mul3A_421, %add3A_422 : i32
      %get3A_424 = arith.index_cast %add3A_423 : i32 to index
      %get3A_425 = tpu.vector_load %arg6[%get3A_424] {strides = array<i32>} : memref<6144xi32, #tpu.memory_space<vmem>>, vector<16xi32>,
      %add3A_426 = arith.constant 40960 : i32
      %add3A_427 = vector.broadcast %add3A_426 : i32 to vector<16xi32>
      %add3A_428 = arith.addi %mul3A_9, %add3A_427 : vector<16xi32>
      %add3A_429 = arith.addi %add3A_428, %get3A_425 : vector<16xi32>
      tpu.vector_store_idx %arg4[%add3A_429], %broadcast_in_dim3A_10 : memref<49152xf32, #tpu.memory_space<vmem>>[vector<16xi32>], vector<16xf32>,
      %mul3A_430 = arith.constant 192 : i32
      %mul3A_431 = arith.muli %add3A_319, %mul3A_430 : i32
      %add3A_432 = arith.constant 176 : i32
      %add3A_433 = arith.addi %mul3A_431, %add3A_432 : i32
      %get3A_434 = arith.index_cast %add3A_433 : i32 to index
      %get3A_435 = tpu.vector_load %arg6[%get3A_434] {strides = array<i32>} : memref<6144xi32, #tpu.memory_space<vmem>>, vector<16xi32>,
      %add3A_436 = arith.constant 45056 : i32
      %add3A_437 = vector.broadcast %add3A_436 : i32 to vector<16xi32>
      %add3A_438 = arith.addi %mul3A_9, %add3A_437 : vector<16xi32>
      %add3A_439 = arith.addi %add3A_438, %get3A_435 : vector<16xi32>
      tpu.vector_store_idx %arg4[%add3A_439], %broadcast_in_dim3A_10 : memref<49152xf32, #tpu.memory_space<vmem>>[vector<16xi32>], vector<16xf32>,
      %mul3A_440 = arith.constant 49152 : i32
      %mul3A_441 = arith.muli %add3A_319, %mul3A_440 : i32
      %add3A_442 = arith.addi %mul3A_6, %mul3A_441 : i32
      %dma_start3A_443 = tpu.memref_slice %arg3[%add3A_442] : memref<50331648xf32, #tpu.memory_space<hbm>> -> memref<49152xf32, #tpu.memory_space<hbm>>
      %dma_start3A_444 = tpu.memref_slice %arg3[%add3A_442] : memref<50331648xf32, #tpu.memory_space<hbm>> -> memref<49152xf32, #tpu.memory_space<hbm>>
      tpu.enqueue_dma source(%arg4 : memref<49152xf32, #tpu.memory_space<vmem>>) target(%dma_start3A_444 : memref<49152xf32, #tpu.memory_space<hbm>>) target_semaphore(%arg7 : memref<!tpu.dma_semaphore, #tpu.memory_space<semaphore_mem>>)
      %dma_wait3A_445 = tpu.memref_slice %arg3[%mul3A_6] : memref<50331648xf32, #tpu.memory_space<hbm>> -> memref<49152xf32, #tpu.memory_space<hbm>>
      %dma_wait3A_446 = tpu.memref_slice %arg3[%mul3A_6] : memref<50331648xf32, #tpu.memory_space<hbm>> -> memref<49152xf32, #tpu.memory_space<hbm>>
      tpu.wait_dma2 semaphore(%arg8 : memref<!tpu.dma_semaphore, #tpu.memory_space<semaphore_mem>>) src(%arg5 : memref<49152xf32, #tpu.memory_space<vmem>>) dst(%dma_wait3A_446 : memref<49152xf32, #tpu.memory_space<hbm>>)
      %sub3A_447 = arith.constant 1 : i32
      %sub3A_448 = arith.subi %add3A_188, %sub3A_447 : i32
      %mul3A_449 = arith.constant 2 : i32
      %mul3A_450 = arith.muli %mul3A_449, %sub3A_448 : i32
      %add3A_451 = arith.constant 1 : i32
      %add3A_452 = arith.addi %mul3A_450, %add3A_451 : i32
      %mul3A_453 = arith.constant 192 : i32
      %mul3A_454 = arith.muli %add3A_452, %mul3A_453 : i32
      %add3A_455 = arith.constant 0 : i32
      %add3A_456 = arith.addi %mul3A_454, %add3A_455 : i32
      %get3A_457 = arith.index_cast %add3A_456 : i32 to index
      %get3A_458 = tpu.vector_load %arg6[%get3A_457] {strides = array<i32>} : memref<6144xi32, #tpu.memory_space<vmem>>, vector<16xi32>,
      %add3A_459 = arith.constant 0 : i32
      %add3A_460 = vector.broadcast %add3A_459 : i32 to vector<16xi32>
      %add3A_461 = arith.addi %mul3A_9, %add3A_460 : vector<16xi32>
      %add3A_462 = arith.addi %add3A_461, %get3A_458 : vector<16xi32>
      tpu.vector_store_idx %arg5[%add3A_462], %broadcast_in_dim3A_12 : memref<49152xf32, #tpu.memory_space<vmem>>[vector<16xi32>], vector<16xf32>,
      %mul3A_463 = arith.constant 192 : i32
      %mul3A_464 = arith.muli %add3A_452, %mul3A_463 : i32
      %add3A_465 = arith.constant 16 : i32
      %add3A_466 = arith.addi %mul3A_464, %add3A_465 : i32
      %get3A_467 = arith.index_cast %add3A_466 : i32 to index
      %get3A_468 = tpu.vector_load %arg6[%get3A_467] {strides = array<i32>} : memref<6144xi32, #tpu.memory_space<vmem>>, vector<16xi32>,
      %add3A_469 = arith.constant 4096 : i32
      %add3A_470 = vector.broadcast %add3A_469 : i32 to vector<16xi32>
      %add3A_471 = arith.addi %mul3A_9, %add3A_470 : vector<16xi32>
      %add3A_472 = arith.addi %add3A_471, %get3A_468 : vector<16xi32>
      tpu.vector_store_idx %arg5[%add3A_472], %broadcast_in_dim3A_12 : memref<49152xf32, #tpu.memory_space<vmem>>[vector<16xi32>], vector<16xf32>,
      %mul3A_473 = arith.constant 192 : i32
      %mul3A_474 = arith.muli %add3A_452, %mul3A_473 : i32
      %add3A_475 = arith.constant 32 : i32
      %add3A_476 = arith.addi %mul3A_474, %add3A_475 : i32
      %get3A_477 = arith.index_cast %add3A_476 : i32 to index
      %get3A_478 = tpu.vector_load %arg6[%get3A_477] {strides = array<i32>} : memref<6144xi32, #tpu.memory_space<vmem>>, vector<16xi32>,
      %add3A_479 = arith.constant 8192 : i32
      %add3A_480 = vector.broadcast %add3A_479 : i32 to vector<16xi32>
      %add3A_481 = arith.addi %mul3A_9, %add3A_480 : vector<16xi32>
      %add3A_482 = arith.addi %add3A_481, %get3A_478 : vector<16xi32>
      tpu.vector_store_idx %arg5[%add3A_482], %broadcast_in_dim3A_12 : memref<49152xf32, #tpu.memory_space<vmem>>[vector<16xi32>], vector<16xf32>,
      %mul3A_483 = arith.constant 192 : i32
      %mul3A_484 = arith.muli %add3A_452, %mul3A_483 : i32
      %add3A_485 = arith.constant 48 : i32
      %add3A_486 = arith.addi %mul3A_484, %add3A_485 : i32
      %get3A_487 = arith.index_cast %add3A_486 : i32 to index
      %get3A_488 = tpu.vector_load %arg6[%get3A_487] {strides = array<i32>} : memref<6144xi32, #tpu.memory_space<vmem>>, vector<16xi32>,
      %add3A_489 = arith.constant 12288 : i32
      %add3A_490 = vector.broadcast %add3A_489 : i32 to vector<16xi32>
      %add3A_491 = arith.addi %mul3A_9, %add3A_490 : vector<16xi32>
      %add3A_492 = arith.addi %add3A_491, %get3A_488 : vector<16xi32>
      tpu.vector_store_idx %arg5[%add3A_492], %broadcast_in_dim3A_12 : memref<49152xf32, #tpu.memory_space<vmem>>[vector<16xi32>], vector<16xf32>,
      %mul3A_493 = arith.constant 192 : i32
      %mul3A_494 = arith.muli %add3A_452, %mul3A_493 : i32
      %add3A_495 = arith.constant 64 : i32
      %add3A_496 = arith.addi %mul3A_494, %add3A_495 : i32
      %get3A_497 = arith.index_cast %add3A_496 : i32 to index
      %get3A_498 = tpu.vector_load %arg6[%get3A_497] {strides = array<i32>} : memref<6144xi32, #tpu.memory_space<vmem>>, vector<16xi32>,
      %add3A_499 = arith.constant 16384 : i32
      %add3A_500 = vector.broadcast %add3A_499 : i32 to vector<16xi32>
      %add3A_501 = arith.addi %mul3A_9, %add3A_500 : vector<16xi32>
      %add3A_502 = arith.addi %add3A_501, %get3A_498 : vector<16xi32>
      tpu.vector_store_idx %arg5[%add3A_502], %broadcast_in_dim3A_12 : memref<49152xf32, #tpu.memory_space<vmem>>[vector<16xi32>], vector<16xf32>,
      %mul3A_503 = arith.constant 192 : i32
      %mul3A_504 = arith.muli %add3A_452, %mul3A_503 : i32
      %add3A_505 = arith.constant 80 : i32
      %add3A_506 = arith.addi %mul3A_504, %add3A_505 : i32
      %get3A_507 = arith.index_cast %add3A_506 : i32 to index
      %get3A_508 = tpu.vector_load %arg6[%get3A_507] {strides = array<i32>} : memref<6144xi32, #tpu.memory_space<vmem>>, vector<16xi32>,
      %add3A_509 = arith.constant 20480 : i32
      %add3A_510 = vector.broadcast %add3A_509 : i32 to vector<16xi32>
      %add3A_511 = arith.addi %mul3A_9, %add3A_510 : vector<16xi32>
      %add3A_512 = arith.addi %add3A_511, %get3A_508 : vector<16xi32>
      tpu.vector_store_idx %arg5[%add3A_512], %broadcast_in_dim3A_12 : memref<49152xf32, #tpu.memory_space<vmem>>[vector<16xi32>], vector<16xf32>,
      %mul3A_513 = arith.constant 192 : i32
      %mul3A_514 = arith.muli %add3A_452, %mul3A_513 : i32
      %add3A_515 = arith.constant 96 : i32
      %add3A_516 = arith.addi %mul3A_514, %add3A_515 : i32
      %get3A_517 = arith.index_cast %add3A_516 : i32 to index
      %get3A_518 = tpu.vector_load %arg6[%get3A_517] {strides = array<i32>} : memref<6144xi32, #tpu.memory_space<vmem>>, vector<16xi32>,
      %add3A_519 = arith.constant 24576 : i32
      %add3A_520 = vector.broadcast %add3A_519 : i32 to vector<16xi32>
      %add3A_521 = arith.addi %mul3A_9, %add3A_520 : vector<16xi32>
      %add3A_522 = arith.addi %add3A_521, %get3A_518 : vector<16xi32>
      tpu.vector_store_idx %arg5[%add3A_522], %broadcast_in_dim3A_12 : memref<49152xf32, #tpu.memory_space<vmem>>[vector<16xi32>], vector<16xf32>,
      %mul3A_523 = arith.constant 192 : i32
      %mul3A_524 = arith.muli %add3A_452, %mul3A_523 : i32
      %add3A_525 = arith.constant 112 : i32
      %add3A_526 = arith.addi %mul3A_524, %add3A_525 : i32
      %get3A_527 = arith.index_cast %add3A_526 : i32 to index
      %get3A_528 = tpu.vector_load %arg6[%get3A_527] {strides = array<i32>} : memref<6144xi32, #tpu.memory_space<vmem>>, vector<16xi32>,
      %add3A_529 = arith.constant 28672 : i32
      %add3A_530 = vector.broadcast %add3A_529 : i32 to vector<16xi32>
      %add3A_531 = arith.addi %mul3A_9, %add3A_530 : vector<16xi32>
      %add3A_532 = arith.addi %add3A_531, %get3A_528 : vector<16xi32>
      tpu.vector_store_idx %arg5[%add3A_532], %broadcast_in_dim3A_12 : memref<49152xf32, #tpu.memory_space<vmem>>[vector<16xi32>], vector<16xf32>,
      %mul3A_533 = arith.constant 192 : i32
      %mul3A_534 = arith.muli %add3A_452, %mul3A_533 : i32
      %add3A_535 = arith.constant 128 : i32
      %add3A_536 = arith.addi %mul3A_534, %add3A_535 : i32
      %get3A_537 = arith.index_cast %add3A_536 : i32 to index
      %get3A_538 = tpu.vector_load %arg6[%get3A_537] {strides = array<i32>} : memref<6144xi32, #tpu.memory_space<vmem>>, vector<16xi32>,
      %add3A_539 = arith.constant 32768 : i32
      %add3A_540 = vector.broadcast %add3A_539 : i32 to vector<16xi32>
      %add3A_541 = arith.addi %mul3A_9, %add3A_540 : vector<16xi32>
      %add3A_542 = arith.addi %add3A_541, %get3A_538 : vector<16xi32>
      tpu.vector_store_idx %arg5[%add3A_542], %broadcast_in_dim3A_12 : memref<49152xf32, #tpu.memory_space<vmem>>[vector<16xi32>], vector<16xf32>,
      %mul3A_543 = arith.constant 192 : i32
      %mul3A_544 = arith.muli %add3A_452, %mul3A_543 : i32
      %add3A_545 = arith.constant 144 : i32
      %add3A_546 = arith.addi %mul3A_544, %add3A_545 : i32
      %get3A_547 = arith.index_cast %add3A_546 : i32 to index
      %get3A_548 = tpu.vector_load %arg6[%get3A_547] {strides = array<i32>} : memref<6144xi32, #tpu.memory_space<vmem>>, vector<16xi32>,
      %add3A_549 = arith.constant 36864 : i32
      %add3A_550 = vector.broadcast %add3A_549 : i32 to vector<16xi32>
      %add3A_551 = arith.addi %mul3A_9, %add3A_550 : vector<16xi32>
      %add3A_552 = arith.addi %add3A_551, %get3A_548 : vector<16xi32>
      tpu.vector_store_idx %arg5[%add3A_552], %broadcast_in_dim3A_12 : memref<49152xf32, #tpu.memory_space<vmem>>[vector<16xi32>], vector<16xf32>,
      %mul3A_553 = arith.constant 192 : i32
      %mul3A_554 = arith.muli %add3A_452, %mul3A_553 : i32
      %add3A_555 = arith.constant 160 : i32
      %add3A_556 = arith.addi %mul3A_554, %add3A_555 : i32
      %get3A_557 = arith.index_cast %add3A_556 : i32 to index
      %get3A_558 = tpu.vector_load %arg6[%get3A_557] {strides = array<i32>} : memref<6144xi32, #tpu.memory_space<vmem>>, vector<16xi32>,
      %add3A_559 = arith.constant 40960 : i32
      %add3A_560 = vector.broadcast %add3A_559 : i32 to vector<16xi32>
      %add3A_561 = arith.addi %mul3A_9, %add3A_560 : vector<16xi32>
      %add3A_562 = arith.addi %add3A_561, %get3A_558 : vector<16xi32>
      tpu.vector_store_idx %arg5[%add3A_562], %broadcast_in_dim3A_12 : memref<49152xf32, #tpu.memory_space<vmem>>[vector<16xi32>], vector<16xf32>,
      %mul3A_563 = arith.constant 192 : i32
      %mul3A_564 = arith.muli %add3A_452, %mul3A_563 : i32
      %add3A_565 = arith.constant 176 : i32
      %add3A_566 = arith.addi %mul3A_564, %add3A_565 : i32
      %get3A_567 = arith.index_cast %add3A_566 : i32 to index
      %get3A_568 = tpu.vector_load %arg6[%get3A_567] {strides = array<i32>} : memref<6144xi32, #tpu.memory_space<vmem>>, vector<16xi32>,
      %add3A_569 = arith.constant 45056 : i32
      %add3A_570 = vector.broadcast %add3A_569 : i32 to vector<16xi32>
      %add3A_571 = arith.addi %mul3A_9, %add3A_570 : vector<16xi32>
      %add3A_572 = arith.addi %add3A_571, %get3A_568 : vector<16xi32>
      tpu.vector_store_idx %arg5[%add3A_572], %broadcast_in_dim3A_12 : memref<49152xf32, #tpu.memory_space<vmem>>[vector<16xi32>], vector<16xf32>,
      %mul3A_573 = arith.constant 2 : i32
      %mul3A_574 = arith.muli %mul3A_573, %add3A_188 : i32
      %add3A_575 = arith.constant 1 : i32
      %add3A_576 = arith.addi %mul3A_574, %add3A_575 : i32
      %mul3A_577 = arith.constant 192 : i32
      %mul3A_578 = arith.muli %add3A_576, %mul3A_577 : i32
      %add3A_579 = arith.constant 0 : i32
      %add3A_580 = arith.addi %mul3A_578, %add3A_579 : i32
      %get3A_581 = arith.index_cast %add3A_580 : i32 to index
      %get3A_582 = tpu.vector_load %arg6[%get3A_581] {strides = array<i32>} : memref<6144xi32, #tpu.memory_space<vmem>>, vector<16xi32>,
      %add3A_583 = arith.constant 0 : i32
      %add3A_584 = vector.broadcast %add3A_583 : i32 to vector<16xi32>
      %add3A_585 = arith.addi %mul3A_9, %add3A_584 : vector<16xi32>
      %add3A_586 = arith.addi %add3A_585, %get3A_582 : vector<16xi32>
      tpu.vector_store_idx %arg5[%add3A_586], %broadcast_in_dim3A_10 : memref<49152xf32, #tpu.memory_space<vmem>>[vector<16xi32>], vector<16xf32>,
      %mul3A_587 = arith.constant 192 : i32
      %mul3A_588 = arith.muli %add3A_576, %mul3A_587 : i32
      %add3A_589 = arith.constant 16 : i32
      %add3A_590 = arith.addi %mul3A_588, %add3A_589 : i32
      %get3A_591 = arith.index_cast %add3A_590 : i32 to index
      %get3A_592 = tpu.vector_load %arg6[%get3A_591] {strides = array<i32>} : memref<6144xi32, #tpu.memory_space<vmem>>, vector<16xi32>,
      %add3A_593 = arith.constant 4096 : i32
      %add3A_594 = vector.broadcast %add3A_593 : i32 to vector<16xi32>
      %add3A_595 = arith.addi %mul3A_9, %add3A_594 : vector<16xi32>
      %add3A_596 = arith.addi %add3A_595, %get3A_592 : vector<16xi32>
      tpu.vector_store_idx %arg5[%add3A_596], %broadcast_in_dim3A_10 : memref<49152xf32, #tpu.memory_space<vmem>>[vector<16xi32>], vector<16xf32>,
      %mul3A_597 = arith.constant 192 : i32
      %mul3A_598 = arith.muli %add3A_576, %mul3A_597 : i32
      %add3A_599 = arith.constant 32 : i32
      %add3A_600 = arith.addi %mul3A_598, %add3A_599 : i32
      %get3A_601 = arith.index_cast %add3A_600 : i32 to index
      %get3A_602 = tpu.vector_load %arg6[%get3A_601] {strides = array<i32>} : memref<6144xi32, #tpu.memory_space<vmem>>, vector<16xi32>,
      %add3A_603 = arith.constant 8192 : i32
      %add3A_604 = vector.broadcast %add3A_603 : i32 to vector<16xi32>
      %add3A_605 = arith.addi %mul3A_9, %add3A_604 : vector<16xi32>
      %add3A_606 = arith.addi %add3A_605, %get3A_602 : vector<16xi32>
      tpu.vector_store_idx %arg5[%add3A_606], %broadcast_in_dim3A_10 : memref<49152xf32, #tpu.memory_space<vmem>>[vector<16xi32>], vector<16xf32>,
      %mul3A_607 = arith.constant 192 : i32
      %mul3A_608 = arith.muli %add3A_576, %mul3A_607 : i32
      %add3A_609 = arith.constant 48 : i32
      %add3A_610 = arith.addi %mul3A_608, %add3A_609 : i32
      %get3A_611 = arith.index_cast %add3A_610 : i32 to index
      %get3A_612 = tpu.vector_load %arg6[%get3A_611] {strides = array<i32>} : memref<6144xi32, #tpu.memory_space<vmem>>, vector<16xi32>,
      %add3A_613 = arith.constant 12288 : i32
      %add3A_614 = vector.broadcast %add3A_613 : i32 to vector<16xi32>
      %add3A_615 = arith.addi %mul3A_9, %add3A_614 : vector<16xi32>
      %add3A_616 = arith.addi %add3A_615, %get3A_612 : vector<16xi32>
      tpu.vector_store_idx %arg5[%add3A_616], %broadcast_in_dim3A_10 : memref<49152xf32, #tpu.memory_space<vmem>>[vector<16xi32>], vector<16xf32>,
      %mul3A_617 = arith.constant 192 : i32
      %mul3A_618 = arith.muli %add3A_576, %mul3A_617 : i32
      %add3A_619 = arith.constant 64 : i32
      %add3A_620 = arith.addi %mul3A_618, %add3A_619 : i32
      %get3A_621 = arith.index_cast %add3A_620 : i32 to index
      %get3A_622 = tpu.vector_load %arg6[%get3A_621] {strides = array<i32>} : memref<6144xi32, #tpu.memory_space<vmem>>, vector<16xi32>,
      %add3A_623 = arith.constant 16384 : i32
      %add3A_624 = vector.broadcast %add3A_623 : i32 to vector<16xi32>
      %add3A_625 = arith.addi %mul3A_9, %add3A_624 : vector<16xi32>
      %add3A_626 = arith.addi %add3A_625, %get3A_622 : vector<16xi32>
      tpu.vector_store_idx %arg5[%add3A_626], %broadcast_in_dim3A_10 : memref<49152xf32, #tpu.memory_space<vmem>>[vector<16xi32>], vector<16xf32>,
      %mul3A_627 = arith.constant 192 : i32
      %mul3A_628 = arith.muli %add3A_576, %mul3A_627 : i32
      %add3A_629 = arith.constant 80 : i32
      %add3A_630 = arith.addi %mul3A_628, %add3A_629 : i32
      %get3A_631 = arith.index_cast %add3A_630 : i32 to index
      %get3A_632 = tpu.vector_load %arg6[%get3A_631] {strides = array<i32>} : memref<6144xi32, #tpu.memory_space<vmem>>, vector<16xi32>,
      %add3A_633 = arith.constant 20480 : i32
      %add3A_634 = vector.broadcast %add3A_633 : i32 to vector<16xi32>
      %add3A_635 = arith.addi %mul3A_9, %add3A_634 : vector<16xi32>
      %add3A_636 = arith.addi %add3A_635, %get3A_632 : vector<16xi32>
      tpu.vector_store_idx %arg5[%add3A_636], %broadcast_in_dim3A_10 : memref<49152xf32, #tpu.memory_space<vmem>>[vector<16xi32>], vector<16xf32>,
      %mul3A_637 = arith.constant 192 : i32
      %mul3A_638 = arith.muli %add3A_576, %mul3A_637 : i32
      %add3A_639 = arith.constant 96 : i32
      %add3A_640 = arith.addi %mul3A_638, %add3A_639 : i32
      %get3A_641 = arith.index_cast %add3A_640 : i32 to index
      %get3A_642 = tpu.vector_load %arg6[%get3A_641] {strides = array<i32>} : memref<6144xi32, #tpu.memory_space<vmem>>, vector<16xi32>,
      %add3A_643 = arith.constant 24576 : i32
      %add3A_644 = vector.broadcast %add3A_643 : i32 to vector<16xi32>
      %add3A_645 = arith.addi %mul3A_9, %add3A_644 : vector<16xi32>
      %add3A_646 = arith.addi %add3A_645, %get3A_642 : vector<16xi32>
      tpu.vector_store_idx %arg5[%add3A_646], %broadcast_in_dim3A_10 : memref<49152xf32, #tpu.memory_space<vmem>>[vector<16xi32>], vector<16xf32>,
      %mul3A_647 = arith.constant 192 : i32
      %mul3A_648 = arith.muli %add3A_576, %mul3A_647 : i32
      %add3A_649 = arith.constant 112 : i32
      %add3A_650 = arith.addi %mul3A_648, %add3A_649 : i32
      %get3A_651 = arith.index_cast %add3A_650 : i32 to index
      %get3A_652 = tpu.vector_load %arg6[%get3A_651] {strides = array<i32>} : memref<6144xi32, #tpu.memory_space<vmem>>, vector<16xi32>,
      %add3A_653 = arith.constant 28672 : i32
      %add3A_654 = vector.broadcast %add3A_653 : i32 to vector<16xi32>
      %add3A_655 = arith.addi %mul3A_9, %add3A_654 : vector<16xi32>
      %add3A_656 = arith.addi %add3A_655, %get3A_652 : vector<16xi32>
      tpu.vector_store_idx %arg5[%add3A_656], %broadcast_in_dim3A_10 : memref<49152xf32, #tpu.memory_space<vmem>>[vector<16xi32>], vector<16xf32>,
      %mul3A_657 = arith.constant 192 : i32
      %mul3A_658 = arith.muli %add3A_576, %mul3A_657 : i32
      %add3A_659 = arith.constant 128 : i32
      %add3A_660 = arith.addi %mul3A_658, %add3A_659 : i32
      %get3A_661 = arith.index_cast %add3A_660 : i32 to index
      %get3A_662 = tpu.vector_load %arg6[%get3A_661] {strides = array<i32>} : memref<6144xi32, #tpu.memory_space<vmem>>, vector<16xi32>,
      %add3A_663 = arith.constant 32768 : i32
      %add3A_664 = vector.broadcast %add3A_663 : i32 to vector<16xi32>
      %add3A_665 = arith.addi %mul3A_9, %add3A_664 : vector<16xi32>
      %add3A_666 = arith.addi %add3A_665, %get3A_662 : vector<16xi32>
      tpu.vector_store_idx %arg5[%add3A_666], %broadcast_in_dim3A_10 : memref<49152xf32, #tpu.memory_space<vmem>>[vector<16xi32>], vector<16xf32>,
      %mul3A_667 = arith.constant 192 : i32
      %mul3A_668 = arith.muli %add3A_576, %mul3A_667 : i32
      %add3A_669 = arith.constant 144 : i32
      %add3A_670 = arith.addi %mul3A_668, %add3A_669 : i32
      %get3A_671 = arith.index_cast %add3A_670 : i32 to index
      %get3A_672 = tpu.vector_load %arg6[%get3A_671] {strides = array<i32>} : memref<6144xi32, #tpu.memory_space<vmem>>, vector<16xi32>,
      %add3A_673 = arith.constant 36864 : i32
      %add3A_674 = vector.broadcast %add3A_673 : i32 to vector<16xi32>
      %add3A_675 = arith.addi %mul3A_9, %add3A_674 : vector<16xi32>
      %add3A_676 = arith.addi %add3A_675, %get3A_672 : vector<16xi32>
      tpu.vector_store_idx %arg5[%add3A_676], %broadcast_in_dim3A_10 : memref<49152xf32, #tpu.memory_space<vmem>>[vector<16xi32>], vector<16xf32>,
      %mul3A_677 = arith.constant 192 : i32
      %mul3A_678 = arith.muli %add3A_576, %mul3A_677 : i32
      %add3A_679 = arith.constant 160 : i32
      %add3A_680 = arith.addi %mul3A_678, %add3A_679 : i32
      %get3A_681 = arith.index_cast %add3A_680 : i32 to index
      %get3A_682 = tpu.vector_load %arg6[%get3A_681] {strides = array<i32>} : memref<6144xi32, #tpu.memory_space<vmem>>, vector<16xi32>,
      %add3A_683 = arith.constant 40960 : i32
      %add3A_684 = vector.broadcast %add3A_683 : i32 to vector<16xi32>
      %add3A_685 = arith.addi %mul3A_9, %add3A_684 : vector<16xi32>
      %add3A_686 = arith.addi %add3A_685, %get3A_682 : vector<16xi32>
      tpu.vector_store_idx %arg5[%add3A_686], %broadcast_in_dim3A_10 : memref<49152xf32, #tpu.memory_space<vmem>>[vector<16xi32>], vector<16xf32>,
      %mul3A_687 = arith.constant 192 : i32
      %mul3A_688 = arith.muli %add3A_576, %mul3A_687 : i32
      %add3A_689 = arith.constant 176 : i32
      %add3A_690 = arith.addi %mul3A_688, %add3A_689 : i32
      %get3A_691 = arith.index_cast %add3A_690 : i32 to index
      %get3A_692 = tpu.vector_load %arg6[%get3A_691] {strides = array<i32>} : memref<6144xi32, #tpu.memory_space<vmem>>, vector<16xi32>,
      %add3A_693 = arith.constant 45056 : i32
      %add3A_694 = vector.broadcast %add3A_693 : i32 to vector<16xi32>
      %add3A_695 = arith.addi %mul3A_9, %add3A_694 : vector<16xi32>
      %add3A_696 = arith.addi %add3A_695, %get3A_692 : vector<16xi32>
      tpu.vector_store_idx %arg5[%add3A_696], %broadcast_in_dim3A_10 : memref<49152xf32, #tpu.memory_space<vmem>>[vector<16xi32>], vector<16xf32>,
      %mul3A_697 = arith.constant 49152 : i32
      %mul3A_698 = arith.muli %add3A_576, %mul3A_697 : i32
      %add3A_699 = arith.addi %mul3A_6, %mul3A_698 : i32
      %dma_start3A_700 = tpu.memref_slice %arg3[%add3A_699] : memref<50331648xf32, #tpu.memory_space<hbm>> -> memref<49152xf32, #tpu.memory_space<hbm>>
      %dma_start3A_701 = tpu.memref_slice %arg3[%add3A_699] : memref<50331648xf32, #tpu.memory_space<hbm>> -> memref<49152xf32, #tpu.memory_space<hbm>>
      tpu.enqueue_dma source(%arg5 : memref<49152xf32, #tpu.memory_space<vmem>>) target(%dma_start3A_701 : memref<49152xf32, #tpu.memory_space<hbm>>) target_semaphore(%arg8 : memref<!tpu.dma_semaphore, #tpu.memory_space<semaphore_mem>>)
    }
    %scan3A_179 = arith.constant 15 : i32
    %dma_wait3A_180 = tpu.memref_slice %arg3[%mul3A_6] : memref<50331648xf32, #tpu.memory_space<hbm>> -> memref<49152xf32, #tpu.memory_space<hbm>>
    %dma_wait3A_181 = tpu.memref_slice %arg3[%mul3A_6] : memref<50331648xf32, #tpu.memory_space<hbm>> -> memref<49152xf32, #tpu.memory_space<hbm>>
    tpu.wait_dma2 semaphore(%arg7 : memref<!tpu.dma_semaphore, #tpu.memory_space<semaphore_mem>>) src(%arg4 : memref<49152xf32, #tpu.memory_space<vmem>>) dst(%dma_wait3A_181 : memref<49152xf32, #tpu.memory_space<hbm>>)
    %dma_wait3A_182 = tpu.memref_slice %arg3[%mul3A_6] : memref<50331648xf32, #tpu.memory_space<hbm>> -> memref<49152xf32, #tpu.memory_space<hbm>>
    %dma_wait3A_183 = tpu.memref_slice %arg3[%mul3A_6] : memref<50331648xf32, #tpu.memory_space<hbm>> -> memref<49152xf32, #tpu.memory_space<hbm>>
    tpu.wait_dma2 semaphore(%arg8 : memref<!tpu.dma_semaphore, #tpu.memory_space<semaphore_mem>>) src(%arg5 : memref<49152xf32, #tpu.memory_space<vmem>>) dst(%dma_wait3A_183 : memref<49152xf32, #tpu.memory_space<hbm>>)
    return
  }
}

</mosaic_0001>

<sc_bundles>
// kernel: kernel.3.cloned.1.call-start
scs
__scs_entry_jumppad:
0x0: {  	(pc) =	sbr.rel $0x88, $3  }
0x1: {  	(tag) =	ssettag $0x0;
	lr =	simm.s32 $0x1  }
0x2: {  	[smem:$0x3FA0] =	sst lr;
	_ =	strace $0xD0000000  }
0x3: {  	_ = 	snop  }
0x4: {  	_ = 	snop  }
0x5: {  	_ = 	snop  }
0x6: {  	_ = 	snop  }
0x7: {  	_ = 	snop  }
__scs_overlays_trampoline_lowered:
0x8: {  	[smem:$0x3FAF] =	sst s0  }
0x9: {  	[smem:$0x3FB0] =	sst s1  }
0xa: {  	[smem:$0x3FB1] =	sst s2  }
0xb: {  	[smem:$0x3FB2] =	sst s3  }
0xc: {  	[smem:$0x3FB3] =	sst s4  }
0xd: {  	[smem:$0x3FB4] =	sst s5  }
0xe: {  	[smem:$0x3FB5] =	sst s6  }
0xf: {  	[smem:$0x3FB6] =	sst s7  }
0x10: {  	[smem:$0x3FB7] =	sst s8  }
0x11: {  	[smem:$0x3FB8] =	sst s9;
	s0 =	simm.s32 @!p0 $0x0  }
0x12: {  	s1 =	sld [smem:$0x3F9E];
	s0 =	simm.s32 @p0 $0x1  }
0x13: {  	[smem:$0x3FB9] =	sst s0;
	s0 =	simm.s32 @!p1 $0x0  }
0x14: {  	s2 =	sld [smem:$0x3F9D];
	s0 =	simm.s32 @p1 $0x1  }
0x15: {  	[smem:$0x3FBA] =	sst s0;
	s0 =	simm.s32 @!p2 $0x0  }
0x16: {  	s3 =	sld [smem:$0x3FDB];
	s0 =	simm.s32 @p2 $0x1  }
0x17: {  	s4 =	simm.s32 $0x1BF5;
	[smem:$0x3FBC] =	sst s0  }
0x18: {  	s0 =	sld [smem:$0x3F9F];
	_ =	swait.ge [sflag:s4], $0x0  }
0x19: {  	s7 =	sld [smem:$0x3FA0]  }
0x1a: {  	s8 =	sadd.s32 $0xFFFFE003, lr  }
0x1b: {  	s9 =	sadd.s32 $0xFFFFFEF7, lr;
	s5 =	simm.s32 $0xFFFFFFFF;
	p2 =	slt.u32 s8, $0xFFFFF086  }
0x1c: {  	p1 =	slt.u32 s9, $0xF7A;
	s5 =	simm.s32 @!p2 $0x0  }
0x1d: {  	s5 =	simm.s32 @p1 $0x1;
	p0 =	seq.s32 s7, s2  }
0x1e: {  	s7 =	smul.u32 @!p0 $0xF7A, s2;
	p2 =	seq.s32 @!p0 s5, $0x0  }
0x1f: {  	s9 =	smul.u32 $0xF7A, s1;
	s8 =	simm.s32 @!p0 $0x1BF5;
	p2 =	por !p2, p0  }
0x20: {  	[sflag:s8] =	ssyncset.s32 @!p0 $0xFFFFF086;
	s6 =	sadd.s32 @!p0 s3, s7;
	s7 =	simm.s32 @!p0 $0x108  }
0x21: {  	s3 =	sadd.s32 s3, s9;
	s6 =	sadd.s32 @!p0 $0x88, s6;
	s7 =	simm.s32 @p2 $0x1082  }
0x22: {  	[simem:s7], [sflag:s8] =	dma.local @!p0 [hbm:s6], $0xF7A  }
0x23: {  	s9 =	sor.u32 $0xD0000000, s2;
	s6 =	simm.s32 $0x108;
	_ =	swait.ge @!p0 [sflag:s8], $0x0  }
0x24: {  	s3 =	sadd.s32 $0x88, s3;
	s6 =	simm.s32 @!p1 $0x1082;
	[sflag:s4] =	ssyncset.s32 $0xFFFFF086  }
0x25: {  	[simem:s6], [sflag:s4] =	dma.local [hbm:s3], $0xF7A  }
0x26: {  	[smem:$0x3FA0] =	sst s1;
	(tag) =	ssettag s2;
	_ =	strace s9  }
0x27: {  	s1 =	sld [smem:$0x3FB0]  }
0x28: {  	s2 =	sld [smem:$0x3FB1]  }
0x29: {  	s4 =	sld [smem:$0x3FB3]  }
0x2a: {  	p0 =	seq.s32 s5, $0x0;
	s5 =	sld [smem:$0x3FB4]  }
0x2b: {  	s6 =	sld [smem:$0x3FB5]  }
0x2c: {  	s7 =	sld [smem:$0x3FB6]  }
0x2d: {  	s3 =	simm.s32 $0x108;
	s8 =	sld [smem:$0x3FB7]  }
0x2e: {  	s3 =	simm.s32 @!p0 $0x1082;
	s9 =	sld [smem:$0x3FB8]  }
0x2f: {  	lr =	sadd.s32 s0, s3;
	s0 =	sld [smem:$0x3FAF]  }
0x30: {  	s3 =	sld [smem:$0x3FB2]  }
0x31: {  	[smem:$0x3FBB] =	sst s10  }
0x32: {  	s10 =	sld [smem:$0x3FB9];
	_ =	sdelay $0x3  }
0x33: {  	p0 =	seq.s32 s10, $0x1;
	s10 =	sld [smem:$0x3FBB];
	_ =	sdelay $0x3  }
0x34: {  	[smem:$0x3FBB] =	sst s10  }
0x35: {  	s10 =	sld [smem:$0x3FBA];
	_ =	sdelay $0x3  }
0x36: {  	p1 =	seq.s32 s10, $0x1;
	s10 =	sld [smem:$0x3FBB];
	_ =	sdelay $0x3  }
0x37: {  	[smem:$0x3FBB] =	sst s10  }
0x38: {  	s10 =	sld [smem:$0x3FBC]  }
0x39: {  	_ = 	snop;
	(pc) =	sbr.ind lr, $3  }
0x3a: {  	_ = 	snop  }
0x3b: {  	_ = 	snop  }
0x3c: {  	p2 =	seq.s32 s10, $0x1;
	s10 =	sld [smem:$0x3FBB]  }
0x3d: {  	_ =	shalt  }
0x3e: {  	_ =	shalt  }
0x3f: {  	_ =	shalt  }
0x40: {  	_ =	shalt  }
0x41: {  	_ =	shalt  }
0x42: {  	_ =	shalt  }
0x43: {  	_ =	shalt  }
0x44: {  	_ =	shalt  }
0x45: {  	_ =	shalt  }
0x46: {  	_ =	shalt  }
0x47: {  	_ =	shalt  }
0x48: {  	_ =	shalt  }
0x49: {  	_ =	shalt  }
0x4a: {  	_ =	shalt  }
0x4b: {  	_ =	shalt  }
0x4c: {  	_ =	shalt  }
0x4d: {  	_ =	shalt  }
0x4e: {  	_ =	shalt  }
0x4f: {  	_ =	shalt  }
0x50: {  	_ =	shalt  }
0x51: {  	_ =	shalt  }
0x52: {  	_ =	shalt  }
0x53: {  	_ =	shalt  }
0x54: {  	_ =	shalt  }
0x55: {  	_ =	shalt  }
0x56: {  	_ =	shalt  }
0x57: {  	_ =	shalt  }
0x58: {  	_ =	shalt  }
0x59: {  	_ =	shalt  }
0x5a: {  	_ =	shalt  }
0x5b: {  	_ =	shalt  }
0x5c: {  	_ =	shalt  }
0x5d: {  	_ =	shalt  }
0x5e: {  	_ =	shalt  }
0x5f: {  	_ =	shalt  }
0x60: {  	_ =	shalt  }
0x61: {  	_ =	shalt  }
0x62: {  	_ =	shalt  }
0x63: {  	_ =	shalt  }
0x64: {  	_ =	shalt  }
0x65: {  	_ =	shalt  }
0x66: {  	_ =	shalt  }
0x67: {  	_ =	shalt  }
0x68: {  	_ =	shalt  }
0x69: {  	_ =	shalt  }
0x6a: {  	_ =	shalt  }
0x6b: {  	_ =	shalt  }
0x6c: {  	_ =	shalt  }
0x6d: {  	_ =	shalt  }
0x6e: {  	_ =	shalt  }
0x6f: {  	_ =	shalt  }
0x70: {  	_ =	shalt  }
0x71: {  	_ =	shalt  }
0x72: {  	_ =	shalt  }
0x73: {  	_ =	shalt  }
0x74: {  	_ =	shalt  }
0x75: {  	_ =	shalt  }
0x76: {  	_ =	shalt  }
0x77: {  	_ =	shalt  }
0x78: {  	_ =	shalt  }
0x79: {  	_ =	shalt  }
0x7a: {  	_ =	shalt  }
0x7b: {  	_ =	shalt  }
0x7c: {  	_ =	shalt  }
0x7d: {  	_ =	shalt  }
0x7e: {  	_ =	shalt  }
0x7f: {  	_ =	shalt  }
0x80: {  	_ =	shalt  }
0x81: {  	_ =	shalt  }
0x82: {  	_ =	shalt  }
0x83: {  	_ =	shalt  }
0x84: {  	_ =	shalt  }
0x85: {  	_ =	shalt  }
0x86: {  	_ =	shalt  }
0x87: {  	_ =	shalt  }
.Lfunc_end0:
.L_simem_size_0:
called_computation_lowered:
.L_overlay_start_0:
0x88: {  	s2 =	sld [smem:$0x3FD9]  }
0x89: {  	s3 =	sld [smem:$0x3FFE];
	_ =	sdelay $0x1  }
0x8a: {  	s1 =	srdreg.scid  }
0x8b: {  	s0 =	sand.u32 $0x1, s1  }
0x8c: {  	s16 =	sshll.u32 s0, $0xA;
	s2 =	sadd.s32 s3, s2  }
0x8d: {  	s2 =	sadd.s32 s2, s16  }
0x8e: {  	[smem:$0x3FC7] =	sst s2  }
0x8f: {  	_ = 	snop  }
0x90: {  	(tm) =	ssettm $0x1  }
0x91: {  	s17 =	sld [smem:$0x3FFB];
	_ =	sdelay $0x3  }
0x92: {  	_ =	strace s17  }
0x93: {  	s2 =	sld [smem:$0x3FFC];
	_ =	sdelay $0x3  }
0x94: {  	_ =	strace s2  }
0x95: {  	s2 =	sld [smem:$0x3FFD];
	_ =	sdelay $0x3  }
0x96: {  	_ =	strace s2  }
0x97: {  	_ =	strace $0x8FFFFFFF  }
0x98: {  	s18 =	sld [smem:$0x3FDB];
	_ =	sdelay $0x1  }
0x99: {  	s19 =	simm.s32 $_scs_section_size  }
0x9a: {  	s4 =	simm.s32 $_size__tile_overlayer_lowered;
	s5 =	simm.s32 $_tile_overlayer_lowered  }
0x9b: {  	s22 =	simm.s32 $0x1BFF;
	s21 =	sshll.u32 s5, $0x1;
	s2 =	sadd.s32 s19, s18  }
0x9c: {  	s6 =	simm.s32 $0x0;
	s20 =	sshll.u32 s4, $0x1;
	s4 =	sadd.s32 s21, s2  }
0x9d: {  	[timem:s6], [sflag:s22] =	dma.local [hbm:s4], s20  }
0x9e: {  	_ =	swait.ge [sflag:s22], s20  }
0x9f: {  	s3 =	ssub.s32 $0x0, s20;
	[sflag:s22] =	ssyncset.done $0x0  }
0xa0: {  	[sflag:s22] =	ssyncadd.s32 s3;
	_ =	sdelay $0x1  }
0xa1: {  	s23 =	simm.s32 $0x1B8B  }
0xa2: {  	_ =	swait.ge [sflag:s23], $0x1  }
0xa3: {  	[sflag:s23] =	ssyncset.done $0x0  }
0xa4: {  	s25 =	simm.s32 $0x1B8E;
	s24 =	sld [smem:$0x3FFE];
	[sflag:s23] =	ssyncadd.s32 $0xFFFFFFFF  }
0xa5: {  	s26 =	simm.s32 $execute0_lowered;
	[smem:$0x3FD2] =	sst s25  }
0xa6: {  	s4 =	sshll.u32 s26, $0x1;
	_ =	strace $0x80000046;
	[dreg:$0x1] =	wrdreg $0xFFFFFFFF  }
0xa7: {  	s28 =	simm.s32 $_size_execute0_lowered;
	s2 =	sadd.s32 s2, s4;
	[dreg:$0x0] =	wrdreg $0x0  }
0xa8: {  	s4 =	sshll.u32 s28, $0x1;
	[dreg:$0x2] =	wrdreg s2  }
0xa9: {  	[dreg:$0x3] =	wrdreg s4  }
0xaa: {  	[dreg:$0x4] =	wrdreg $0xC0  }
0xab: {  	_ =	task [dreg:s6], $0x5FFFF  }
0xac: {  	[dreg:$0x1] =	wrdreg $0xFFFFFFFF  }
0xad: {  	[dreg:$0x0] =	wrdreg $0x60  }
0xae: {  	[dreg:$0x2] =	wrdreg s24  }
0xaf: {  	[dreg:$0x3] =	wrdreg $0x9  }
0xb0: {  	_ =	task.clear_ibuf [dreg:s6], $0x4FFFF;
	_ =	strace $0x90000046  }
0xb1: {  	s29 =	simm.s32 $0x9;
	_ =	strace $0x80000048  }
0xb2: {  	_ =	swait.ge [sflag:s29], $0x1  }
0xb3: {  	[sflag:s29] =	ssyncadd.s32 $0xFFFFFFFF  }
0xb4: {  	_ =	strace $0x90000048  }
0xb5: {  	_ =	sfence  }
0xb6: {  	s30 =	sld [smem:$0x0];
	_ =	sdelay $0x2  }
0xb7: {  	s31 =	sshll.u32 s1, $0xD;
	s1 =	sshrl.u32 s1, $0x2  }
0xb8: {  	s3 =	sand.u32 $0x4000, s31;
	s1 =	sadd.s32 s1, s30  }
0xb9: {  	s0 =	sor.u32 s3, s0;
	s1 =	sshll.u32 s1, $0x11  }
0xba: {  	s0 =	sor.u32 s1, s0  }
0xbb: {  	s0 =	sadd.s32 $0x8F2B, s0  }
0xbc: {  	[sflag:s0] =	ssyncadd.remote.s32 $0x1  }
0xbd: {  	_ =	sfence.sel $0xFFFF  }
0xbe: {  	[dreg:$0x0] =	wrdreg $0xFFFFFFFF;
	(pc) =	sbr.abs _section_cstart, $3  }
0xbf: {  	[dreg:$0x1] =	wrdreg $0xFFFFFFFF  }
0xc0: {  	_ =	task.clear_ibuf [dreg:s6], $0x2FFFF;
	_ =	strace $0x9FFFFFFF  }
0xc1: {  	(tm) =	ssettm $0x7FFFFFFF  }
tec
execute0_lowered:
.L_overlay_start_1:
0x0: {  	(tag) =	ssettag $0x1  }
0x1: {  	s1 =	srdreg.scid  }
0x2: {  	s0 =	stileid.u32;
	s5 =	rddreg [dreg:$0x0]  }
0x3: {  	s2 =	simm.s32 $0x0;
	s12 =	simm.s32 $0x2;
	s3 =	sand.u32 $0x1, s1  }
0x4: {  	s28 =	sshll.u32 s0, $0x1;
	s1 =	rddreg [dreg:$0x1];
	s7 =	smul.u32 $0x300000, s0  }
0x5: {  	s4 =	sor.u32 s3, s28;
	s8 =	ssub.s32 $0x2, s3;
	s3 =	smul.u32 $0x180000, s3  }
0x6: {  	s13 =	simm.s32 $0x0;
	[smem:$0x7FF] =	sst s2;
	s6 =	smul.u32 $0x300, s4  }
0x7: {  	v0 =	vlaneseq.u32;
	s9 =	sadd.s32 $0x6400, s5;
	s4 =	smul.u32 $0x180000, s4;
	s29 =	sshrl.u32 s8, $0x1  }
0x8: {  	v0 =	vmul.u32 $0x100, v0;
	_ =	strace $0x80000047;
	s8 =	ssub.s32 s8, s29;
	s7 =	sadd.s32 s3, s7  }
0x9: {  	v1 =	vimm.f32 $0.0e+00;
	s6 =	sadd.s32 s6, s5;
	s4 =	sshrl.u32 s4, $0x3;
	s30 =	sor.u32 $0x18000, s7  }
0xa: {  	v2 =	vimm.f32 $1.000000000e+00;
	v3 =	vor.u32 $0x1000, v0;
	v4 =	vor.u32 $0x2000, v0;
	s11 =	sor.u32 $0x24000, s7;
	s3 =	sadd.s32 $0x400, s6;
	s4 =	sadd.s32 s9, s4  }
0xb: {  	v5 =	vor.u32 $0x3000, v0;
	v6 =	vor.u32 $0x4000, v0;
	v7 =	vor.u32 $0x5000, v0;
	s10 =	sshrl.u32 s30, $0x3;
	s6 =	smax.u32 s8, $0x1;
	s31 =	sshrl.u32 s11, $0x3  }
0xc: {  	v8 =	vor.u32 $0x6000, v0;
	v9 =	vor.u32 $0x7000, v0;
	v10 =	vor.u32 $0x8000, v0;
	s11 =	simm.s32 $0xC000;
	s5 =	sadd.s32 $0x1800, s4;
	s7 =	sadd.s32 s10, s9  }
0xd: {  	v11 =	vor.u32 $0x9000, v0;
	v12 =	vor.u32 $0xA000, v0;
	v13 =	vor.u32 $0xB000, v0;
	s8 =	sadd.s32 s31, s9;
	s9 =	simm.s32 $0x18000;
	s10 =	simm.s32 $0x1  }
.LBB2_1:
0xe: {  	[tilespmem:s9], [sflag:$0x1] =	stream.linear.gather [hbm4b:s3+s2], $0x1800, $0x38;
	[tilespmem:$0x19800] =	vst v63  }
0xf: {  	s14 =	simm.s32 $0x0;
	s15 =	simm.s32 $0x200  }
.LBB2_2:
0x10: {  	p0 =	sne.s32 s15, $0x2FE00;
	[tilespmem:s14+$0x70] =	vst v1  }
0x11: {  	[tilespmem:s14+$0x0] =	vst v1  }
0x12: {  	[tilespmem:s14+$0x10] =	vst v1  }
.Ltmp0:
0x13: {  	[tilespmem:s14+$0x20] =	vst v1;
	(pc) =	sbr.rel @p0 .LBB2_2-.Ltmp0, $4  }
0x14: {  	[tilespmem:s14+$0x30] =	vst v1  }
0x15: {  	[tilespmem:s14+$0x40] =	vst v1  }
0x16: {  	[tilespmem:s14+$0x50] =	vst v1  }
0x17: {  	[tilespmem:s14+$0x60] =	vst v1;
	s14 =	sshra.s32 s15, $0x2;
	s15 =	sadd.s32 $0x200, s15  }
0x18: {  	[tilespmem:s14+$0x70] =	vst v1  }
0x19: {  	[tilespmem:s14+$0x0] =	vst v1  }
0x1a: {  	[tilespmem:s14+$0x10] =	vst v1  }
0x1b: {  	[tilespmem:s14+$0x20] =	vst v1  }
0x1c: {  	[tilespmem:s14+$0x30] =	vst v1  }
0x1d: {  	[tilespmem:s14+$0x40] =	vst v1  }
0x1e: {  	[tilespmem:s14+$0x50] =	vst v1  }
0x1f: {  	[tilespmem:s14+$0x60] =	vst v1  }
0x20: {  	_ =	swait.ge [sflag:s10], $0x1800  }
0x21: {  	[sflag:s10] =	ssyncset.done $0x0  }
0x22: {  	[sflag:s10] =	ssyncadd.s32 $0xFFFFE800  }
0x23: {  	v14 =	vld [tilespmem:$0x18000];
	_ =	sdelay $0x4  }
0x24: {  	v14 =	vadd.s32 v0, v14;
	_ =	sdelay $0x3  }
0x25: {  	s31 =	simm.s32 $0x0  }
0x26: {  	[tilespmem:v14+s31+$0x0] =	vst.idx.msk $0xffff, v2  }
0x27: {  	v14 =	vld [tilespmem:$0x18010];
	_ =	sdelay $0x4  }
0x28: {  	v14 =	vadd.s32 v3, v14;
	_ =	sdelay $0x4  }
0x29: {  	[tilespmem:v14+s31+$0x0] =	vst.idx.msk $0xffff, v2  }
0x2a: {  	v14 =	vld [tilespmem:$0x18020];
	_ =	sdelay $0x4  }
0x2b: {  	v14 =	vadd.s32 v4, v14;
	_ =	sdelay $0x4  }
0x2c: {  	[tilespmem:v14+s31+$0x0] =	vst.idx.msk $0xffff, v2  }
0x2d: {  	v14 =	vld [tilespmem:$0x18030];
	_ =	sdelay $0x4  }
0x2e: {  	v14 =	vadd.s32 v5, v14;
	_ =	sdelay $0x4  }
0x2f: {  	[tilespmem:v14+s31+$0x0] =	vst.idx.msk $0xffff, v2  }
0x30: {  	v14 =	vld [tilespmem:$0x18040];
	_ =	sdelay $0x4  }
0x31: {  	v14 =	vadd.s32 v6, v14;
	_ =	sdelay $0x4  }
0x32: {  	[tilespmem:v14+s31+$0x0] =	vst.idx.msk $0xffff, v2  }
0x33: {  	v14 =	vld [tilespmem:$0x18050];
	_ =	sdelay $0x4  }
0x34: {  	v14 =	vadd.s32 v7, v14;
	_ =	sdelay $0x4  }
0x35: {  	[tilespmem:v14+s31+$0x0] =	vst.idx.msk $0xffff, v2  }
0x36: {  	v14 =	vld [tilespmem:$0x18060];
	_ =	sdelay $0x4  }
0x37: {  	v14 =	vadd.s32 v8, v14;
	_ =	sdelay $0x4  }
0x38: {  	[tilespmem:v14+s31+$0x0] =	vst.idx.msk $0xffff, v2  }
0x39: {  	v14 =	vld [tilespmem:$0x18070];
	_ =	sdelay $0x4  }
0x3a: {  	v14 =	vadd.s32 v9, v14;
	_ =	sdelay $0x4  }
0x3b: {  	[tilespmem:v14+s31+$0x0] =	vst.idx.msk $0xffff, v2  }
0x3c: {  	v14 =	vld [tilespmem:$0x18080];
	_ =	sdelay $0x4  }
0x3d: {  	v14 =	vadd.s32 v10, v14;
	_ =	sdelay $0x4  }
0x3e: {  	[tilespmem:v14+s31+$0x0] =	vst.idx.msk $0xffff, v2  }
0x3f: {  	v14 =	vld [tilespmem:$0x18090];
	_ =	sdelay $0x4  }
0x40: {  	v14 =	vadd.s32 v11, v14;
	_ =	sdelay $0x4  }
0x41: {  	[tilespmem:v14+s31+$0x0] =	vst.idx.msk $0xffff, v2  }
0x42: {  	v14 =	vld [tilespmem:$0x180A0];
	_ =	sdelay $0x4  }
0x43: {  	v14 =	vadd.s32 v12, v14;
	_ =	sdelay $0x4  }
0x44: {  	[tilespmem:v14+s31+$0x0] =	vst.idx.msk $0xffff, v2  }
0x45: {  	v14 =	vld [tilespmem:$0x180B0];
	_ =	sdelay $0x4  }
0x46: {  	v14 =	vadd.s32 v13, v14;
	_ =	sdelay $0x4  }
0x47: {  	s14 =	simm.s32 $0x0;
	s15 =	simm.s32 $0x200;
	[tilespmem:v14+s31+$0x0] =	vst.idx.msk $0xffff, v2  }
0x48: {  	[hbm4b:s4+s31] =	stream.linear.scatter [tilespmem:s31], [sflag:$0x1], $0xC000, $0x38;
	[tilespmem:$0x19800] =	vst v63  }
.LBB2_4:
0x49: {  	p0 =	sne.s32 s15, $0x2FE00;
	[tilespmem:s14+$0xC070] =	vst v1  }
0x4a: {  	[tilespmem:s14+$0xC000] =	vst v1  }
0x4b: {  	[tilespmem:s14+$0xC010] =	vst v1  }
.Ltmp1:
0x4c: {  	[tilespmem:s14+$0xC020] =	vst v1;
	(pc) =	sbr.rel @p0 .LBB2_4-.Ltmp1, $4  }
0x4d: {  	[tilespmem:s14+$0xC030] =	vst v1  }
0x4e: {  	[tilespmem:s14+$0xC040] =	vst v1  }
0x4f: {  	[tilespmem:s14+$0xC050] =	vst v1  }
0x50: {  	[tilespmem:s14+$0xC060] =	vst v1;
	s14 =	sshra.s32 s15, $0x2;
	s15 =	sadd.s32 $0x200, s15  }
0x51: {  	[tilespmem:s14+$0xC070] =	vst v1  }
0x52: {  	[tilespmem:s14+$0xC000] =	vst v1  }
0x53: {  	[tilespmem:s14+$0xC010] =	vst v1  }
0x54: {  	[tilespmem:s14+$0xC020] =	vst v1  }
0x55: {  	[tilespmem:s14+$0xC030] =	vst v1  }
0x56: {  	[tilespmem:s14+$0xC040] =	vst v1  }
0x57: {  	[tilespmem:s14+$0xC050] =	vst v1  }
0x58: {  	[tilespmem:s14+$0xC060] =	vst v1  }
0x59: {  	v14 =	vld [tilespmem:$0x180C0];
	_ =	sdelay $0x4  }
0x5a: {  	v14 =	vadd.s32 v0, v14;
	_ =	sdelay $0x4  }
0x5b: {  	[tilespmem:v14+s11+$0x0] =	vst.idx.msk $0xffff, v2  }
0x5c: {  	v14 =	vld [tilespmem:$0x180D0];
	_ =	sdelay $0x4  }
0x5d: {  	v14 =	vadd.s32 v3, v14;
	_ =	sdelay $0x4  }
0x5e: {  	[tilespmem:v14+s11+$0x0] =	vst.idx.msk $0xffff, v2  }
0x5f: {  	v14 =	vld [tilespmem:$0x180E0];
	_ =	sdelay $0x4  }
0x60: {  	v14 =	vadd.s32 v4, v14;
	_ =	sdelay $0x4  }
0x61: {  	[tilespmem:v14+s11+$0x0] =	vst.idx.msk $0xffff, v2  }
0x62: {  	v14 =	vld [tilespmem:$0x180F0];
	_ =	sdelay $0x4  }
0x63: {  	v14 =	vadd.s32 v5, v14;
	_ =	sdelay $0x4  }
0x64: {  	[tilespmem:v14+s11+$0x0] =	vst.idx.msk $0xffff, v2  }
0x65: {  	v14 =	vld [tilespmem:$0x18100];
	_ =	sdelay $0x4  }
0x66: {  	v14 =	vadd.s32 v6, v14;
	_ =	sdelay $0x4  }
0x67: {  	[tilespmem:v14+s11+$0x0] =	vst.idx.msk $0xffff, v2  }
0x68: {  	v14 =	vld [tilespmem:$0x18110];
	_ =	sdelay $0x4  }
0x69: {  	v14 =	vadd.s32 v7, v14;
	_ =	sdelay $0x4  }
0x6a: {  	[tilespmem:v14+s11+$0x0] =	vst.idx.msk $0xffff, v2  }
0x6b: {  	v14 =	vld [tilespmem:$0x18120];
	_ =	sdelay $0x4  }
0x6c: {  	v14 =	vadd.s32 v8, v14;
	_ =	sdelay $0x4  }
0x6d: {  	[tilespmem:v14+s11+$0x0] =	vst.idx.msk $0xffff, v2  }
0x6e: {  	v14 =	vld [tilespmem:$0x18130];
	_ =	sdelay $0x4  }
0x6f: {  	v14 =	vadd.s32 v9, v14;
	_ =	sdelay $0x4  }
0x70: {  	[tilespmem:v14+s11+$0x0] =	vst.idx.msk $0xffff, v2  }
0x71: {  	v14 =	vld [tilespmem:$0x18140];
	_ =	sdelay $0x4  }
0x72: {  	v14 =	vadd.s32 v10, v14;
	_ =	sdelay $0x4  }
0x73: {  	[tilespmem:v14+s11+$0x0] =	vst.idx.msk $0xffff, v2  }
0x74: {  	v14 =	vld [tilespmem:$0x18150];
	_ =	sdelay $0x4  }
0x75: {  	v14 =	vadd.s32 v11, v14;
	_ =	sdelay $0x4  }
0x76: {  	[tilespmem:v14+s11+$0x0] =	vst.idx.msk $0xffff, v2  }
0x77: {  	v14 =	vld [tilespmem:$0x18160];
	_ =	sdelay $0x4  }
0x78: {  	v14 =	vadd.s32 v12, v14;
	_ =	sdelay $0x4  }
0x79: {  	[tilespmem:v14+s11+$0x0] =	vst.idx.msk $0xffff, v2  }
0x7a: {  	v14 =	vld [tilespmem:$0x18170];
	_ =	sdelay $0x4  }
0x7b: {  	v14 =	vadd.s32 v13, v14;
	_ =	sdelay $0x3  }
0x7c: {  	s14 =	simm.s32 $0x240  }
0x7d: {  	s15 =	simm.s32 $0x18180;
	s16 =	smov.u32 s8;
	s17 =	smov.u32 s7;
	[tilespmem:v14+s11+$0x0] =	vst.idx.msk $0xffff, v2  }
0x7e: {  	[hbm4b:s5+s2] =	stream.linear.scatter [tilespmem:s11], [sflag:$0x2], $0xC000, $0x38;
	[tilespmem:$0x19800] =	vst v63  }
.LBB2_6:
0x7f: {  	_ =	swait.ge [sflag:s10], $0xC000  }
0x80: {  	[sflag:s10] =	ssyncset.done $0x0  }
0x81: {  	[sflag:s10] =	ssyncadd.s32 $0xFFFF4000  }
0x82: {  	v14 =	vld [tilespmem:s15+$0xFFFFFE80];
	_ =	sdelay $0x4  }
0x83: {  	v14 =	vadd.s32 v0, v14;
	_ =	sdelay $0x4  }
0x84: {  	[tilespmem:v14+s2+$0x0] =	vst.idx.msk $0xffff, v1  }
0x85: {  	v14 =	vld [tilespmem:s15+$0xFFFFFE90];
	_ =	sdelay $0x4  }
0x86: {  	v14 =	vadd.s32 v3, v14;
	_ =	sdelay $0x4  }
0x87: {  	[tilespmem:v14+s2+$0x0] =	vst.idx.msk $0xffff, v1  }
0x88: {  	v14 =	vld [tilespmem:s15+$0xFFFFFEA0];
	_ =	sdelay $0x4  }
0x89: {  	v14 =	vadd.s32 v4, v14;
	_ =	sdelay $0x4  }
0x8a: {  	[tilespmem:v14+s2+$0x0] =	vst.idx.msk $0xffff, v1  }
0x8b: {  	v14 =	vld [tilespmem:s15+$0xFFFFFEB0];
	_ =	sdelay $0x4  }
0x8c: {  	v14 =	vadd.s32 v5, v14;
	_ =	sdelay $0x4  }
0x8d: {  	[tilespmem:v14+s2+$0x0] =	vst.idx.msk $0xffff, v1  }
0x8e: {  	v14 =	vld [tilespmem:s15+$0xFFFFFEC0];
	_ =	sdelay $0x4  }
0x8f: {  	v14 =	vadd.s32 v6, v14;
	_ =	sdelay $0x4  }
0x90: {  	[tilespmem:v14+s2+$0x0] =	vst.idx.msk $0xffff, v1  }
0x91: {  	v14 =	vld [tilespmem:s15+$0xFFFFFED0];
	_ =	sdelay $0x4  }
0x92: {  	v14 =	vadd.s32 v7, v14;
	_ =	sdelay $0x4  }
0x93: {  	[tilespmem:v14+s2+$0x0] =	vst.idx.msk $0xffff, v1  }
0x94: {  	v14 =	vld [tilespmem:s15+$0xFFFFFEE0];
	_ =	sdelay $0x4  }
0x95: {  	v14 =	vadd.s32 v8, v14;
	_ =	sdelay $0x4  }
0x96: {  	[tilespmem:v14+s2+$0x0] =	vst.idx.msk $0xffff, v1  }
0x97: {  	v14 =	vld [tilespmem:s15+$0xFFFFFEF0];
	_ =	sdelay $0x4  }
0x98: {  	v14 =	vadd.s32 v9, v14;
	_ =	sdelay $0x4  }
0x99: {  	[tilespmem:v14+s2+$0x0] =	vst.idx.msk $0xffff, v1  }
0x9a: {  	v14 =	vld [tilespmem:s15+$0xFFFFFF00];
	_ =	sdelay $0x4  }
0x9b: {  	v14 =	vadd.s32 v10, v14;
	_ =	sdelay $0x4  }
0x9c: {  	[tilespmem:v14+s2+$0x0] =	vst.idx.msk $0xffff, v1  }
0x9d: {  	v14 =	vld [tilespmem:s15+$0xFFFFFF10];
	_ =	sdelay $0x4  }
0x9e: {  	v14 =	vadd.s32 v11, v14;
	_ =	sdelay $0x4  }
0x9f: {  	[tilespmem:v14+s2+$0x0] =	vst.idx.msk $0xffff, v1  }
0xa0: {  	v14 =	vld [tilespmem:s15+$0xFFFFFF20];
	_ =	sdelay $0x4  }
0xa1: {  	v14 =	vadd.s32 v12, v14;
	_ =	sdelay $0x4  }
0xa2: {  	[tilespmem:v14+s2+$0x0] =	vst.idx.msk $0xffff, v1  }
0xa3: {  	v14 =	vld [tilespmem:s15+$0xFFFFFF30];
	_ =	sdelay $0x4  }
0xa4: {  	v14 =	vadd.s32 v13, v14;
	_ =	sdelay $0x4  }
0xa5: {  	[tilespmem:v14+s2+$0x0] =	vst.idx.msk $0xffff, v1  }
0xa6: {  	v14 =	vld [tilespmem:s15+$0x0];
	_ =	sdelay $0x4  }
0xa7: {  	v14 =	vadd.s32 v0, v14;
	_ =	sdelay $0x4  }
0xa8: {  	[tilespmem:v14+s2+$0x0] =	vst.idx.msk $0xffff, v2  }
0xa9: {  	v14 =	vld [tilespmem:s15+$0x10];
	_ =	sdelay $0x4  }
0xaa: {  	v14 =	vadd.s32 v3, v14;
	_ =	sdelay $0x4  }
0xab: {  	[tilespmem:v14+s2+$0x0] =	vst.idx.msk $0xffff, v2  }
0xac: {  	v14 =	vld [tilespmem:s15+$0x20];
	_ =	sdelay $0x4  }
0xad: {  	v14 =	vadd.s32 v4, v14;
	_ =	sdelay $0x4  }
0xae: {  	[tilespmem:v14+s2+$0x0] =	vst.idx.msk $0xffff, v2  }
0xaf: {  	v14 =	vld [tilespmem:s15+$0x30];
	_ =	sdelay $0x4  }
0xb0: {  	v14 =	vadd.s32 v5, v14;
	_ =	sdelay $0x4  }
0xb1: {  	[tilespmem:v14+s2+$0x0] =	vst.idx.msk $0xffff, v2  }
0xb2: {  	v14 =	vld [tilespmem:s15+$0x40];
	_ =	sdelay $0x4  }
0xb3: {  	v14 =	vadd.s32 v6, v14;
	_ =	sdelay $0x4  }
0xb4: {  	[tilespmem:v14+s2+$0x0] =	vst.idx.msk $0xffff, v2  }
0xb5: {  	v14 =	vld [tilespmem:s15+$0x50];
	_ =	sdelay $0x4  }
0xb6: {  	v14 =	vadd.s32 v7, v14;
	_ =	sdelay $0x4  }
0xb7: {  	[tilespmem:v14+s2+$0x0] =	vst.idx.msk $0xffff, v2  }
0xb8: {  	v14 =	vld [tilespmem:s15+$0x60];
	_ =	sdelay $0x4  }
0xb9: {  	v14 =	vadd.s32 v8, v14;
	_ =	sdelay $0x4  }
0xba: {  	[tilespmem:v14+s2+$0x0] =	vst.idx.msk $0xffff, v2  }
0xbb: {  	v14 =	vld [tilespmem:s15+$0x70];
	_ =	sdelay $0x4  }
0xbc: {  	v14 =	vadd.s32 v9, v14;
	_ =	sdelay $0x4  }
0xbd: {  	[tilespmem:v14+s2+$0x0] =	vst.idx.msk $0xffff, v2  }
0xbe: {  	v14 =	vld [tilespmem:s15+$0x80];
	_ =	sdelay $0x4  }
0xbf: {  	v14 =	vadd.s32 v10, v14;
	_ =	sdelay $0x4  }
0xc0: {  	[tilespmem:v14+s2+$0x0] =	vst.idx.msk $0xffff, v2  }
0xc1: {  	v14 =	vld [tilespmem:s15+$0x90];
	_ =	sdelay $0x4  }
0xc2: {  	v14 =	vadd.s32 v11, v14;
	_ =	sdelay $0x4  }
0xc3: {  	[tilespmem:v14+s2+$0x0] =	vst.idx.msk $0xffff, v2  }
0xc4: {  	v14 =	vld [tilespmem:s15+$0xA0];
	_ =	sdelay $0x4  }
0xc5: {  	v14 =	vadd.s32 v12, v14;
	_ =	sdelay $0x4  }
0xc6: {  	[tilespmem:v14+s2+$0x0] =	vst.idx.msk $0xffff, v2  }
0xc7: {  	v14 =	vld [tilespmem:s15+$0xB0];
	_ =	sdelay $0x4  }
0xc8: {  	v14 =	vadd.s32 v13, v14;
	_ =	sdelay $0x4  }
0xc9: {  	[tilespmem:v14+s2+$0x0] =	vst.idx.msk $0xffff, v2  }
0xca: {  	[hbm4b:s17+s2] =	stream.linear.scatter [tilespmem:s2], [sflag:$0x1], $0xC000, $0x38;
	[tilespmem:$0x19800] =	vst v63  }
0xcb: {  	_ =	swait.ge [sflag:s12], $0xC000  }
0xcc: {  	[sflag:s12] =	ssyncset.done $0x0  }
0xcd: {  	[sflag:s12] =	ssyncadd.s32 $0xFFFF4000  }
0xce: {  	v14 =	vld [tilespmem:s15+$0xFFFFFF40];
	_ =	sdelay $0x4  }
0xcf: {  	v14 =	vadd.s32 v0, v14;
	_ =	sdelay $0x4  }
0xd0: {  	[tilespmem:v14+s11+$0x0] =	vst.idx.msk $0xffff, v1  }
0xd1: {  	v14 =	vld [tilespmem:s15+$0xFFFFFF50];
	_ =	sdelay $0x4  }
0xd2: {  	v14 =	vadd.s32 v3, v14;
	_ =	sdelay $0x4  }
0xd3: {  	[tilespmem:v14+s11+$0x0] =	vst.idx.msk $0xffff, v1  }
0xd4: {  	v14 =	vld [tilespmem:s15+$0xFFFFFF60];
	_ =	sdelay $0x4  }
0xd5: {  	v14 =	vadd.s32 v4, v14;
	_ =	sdelay $0x4  }
0xd6: {  	[tilespmem:v14+s11+$0x0] =	vst.idx.msk $0xffff, v1  }
0xd7: {  	v14 =	vld [tilespmem:s15+$0xFFFFFF70];
	_ =	sdelay $0x4  }
0xd8: {  	v14 =	vadd.s32 v5, v14;
	_ =	sdelay $0x4  }
0xd9: {  	[tilespmem:v14+s11+$0x0] =	vst.idx.msk $0xffff, v1  }
0xda: {  	v14 =	vld [tilespmem:s15+$0xFFFFFF80];
	_ =	sdelay $0x4  }
0xdb: {  	v14 =	vadd.s32 v6, v14;
	_ =	sdelay $0x4  }
0xdc: {  	[tilespmem:v14+s11+$0x0] =	vst.idx.msk $0xffff, v1  }
0xdd: {  	v14 =	vld [tilespmem:s15+$0xFFFFFF90];
	_ =	sdelay $0x4  }
0xde: {  	v14 =	vadd.s32 v7, v14;
	_ =	sdelay $0x4  }
0xdf: {  	[tilespmem:v14+s11+$0x0] =	vst.idx.msk $0xffff, v1  }
0xe0: {  	v14 =	vld [tilespmem:s15+$0xFFFFFFA0];
	_ =	sdelay $0x4  }
0xe1: {  	v14 =	vadd.s32 v8, v14;
	_ =	sdelay $0x4  }
0xe2: {  	[tilespmem:v14+s11+$0x0] =	vst.idx.msk $0xffff, v1  }
0xe3: {  	v14 =	vld [tilespmem:s15+$0xFFFFFFB0];
	_ =	sdelay $0x4  }
0xe4: {  	v14 =	vadd.s32 v9, v14;
	_ =	sdelay $0x4  }
0xe5: {  	[tilespmem:v14+s11+$0x0] =	vst.idx.msk $0xffff, v1  }
0xe6: {  	v14 =	vld [tilespmem:s15+$0xFFFFFFC0];
	_ =	sdelay $0x4  }
0xe7: {  	v14 =	vadd.s32 v10, v14;
	_ =	sdelay $0x4  }
0xe8: {  	[tilespmem:v14+s11+$0x0] =	vst.idx.msk $0xffff, v1  }
0xe9: {  	v14 =	vld [tilespmem:s15+$0xFFFFFFD0];
	_ =	sdelay $0x4  }
0xea: {  	v14 =	vadd.s32 v11, v14;
	_ =	sdelay $0x4  }
0xeb: {  	[tilespmem:v14+s11+$0x0] =	vst.idx.msk $0xffff, v1  }
0xec: {  	v14 =	vld [tilespmem:s15+$0xFFFFFFE0];
	_ =	sdelay $0x4  }
0xed: {  	v14 =	vadd.s32 v12, v14;
	_ =	sdelay $0x4  }
0xee: {  	[tilespmem:v14+s11+$0x0] =	vst.idx.msk $0xffff, v1  }
0xef: {  	v14 =	vld [tilespmem:s15+$0xFFFFFFF0];
	_ =	sdelay $0x4  }
0xf0: {  	v14 =	vadd.s32 v13, v14;
	_ =	sdelay $0x4  }
0xf1: {  	[tilespmem:v14+s11+$0x0] =	vst.idx.msk $0xffff, v1  }
0xf2: {  	v14 =	vld [tilespmem:s15+$0xC0];
	_ =	sdelay $0x4  }
0xf3: {  	v14 =	vadd.s32 v0, v14;
	_ =	sdelay $0x4  }
0xf4: {  	s18 =	sor.u32 $0x50, s14;
	[tilespmem:v14+s11+$0x0] =	vst.idx.msk $0xffff, v2  }
0xf5: {  	v14 =	vld [tilespmem:s18+$0x18000];
	_ =	sdelay $0x4  }
0xf6: {  	v14 =	vadd.s32 v3, v14;
	_ =	sdelay $0x4  }
0xf7: {  	s30 =	sor.u32 $0x60, s14;
	[tilespmem:v14+s11+$0x0] =	vst.idx.msk $0xffff, v2  }
0xf8: {  	v14 =	vld [tilespmem:s30+$0x18000];
	_ =	sdelay $0x4  }
0xf9: {  	v14 =	vadd.s32 v4, v14;
	_ =	sdelay $0x4  }
0xfa: {  	s31 =	sor.u32 $0x70, s14;
	[tilespmem:v14+s11+$0x0] =	vst.idx.msk $0xffff, v2  }
0xfb: {  	v14 =	vld [tilespmem:s31+$0x18000];
	_ =	sdelay $0x4  }
0xfc: {  	v14 =	vadd.s32 v5, v14;
	_ =	sdelay $0x4  }
0xfd: {  	[tilespmem:v14+s11+$0x0] =	vst.idx.msk $0xffff, v2  }
0xfe: {  	v14 =	vld [tilespmem:s15+$0x100];
	_ =	sdelay $0x4  }
0xff: {  	v14 =	vadd.s32 v6, v14;
	_ =	sdelay $0x4  }
0x100: {  	[tilespmem:v14+s11+$0x0] =	vst.idx.msk $0xffff, v2  }
0x101: {  	v14 =	vld [tilespmem:s15+$0x110];
	_ =	sdelay $0x4  }
0x102: {  	v14 =	vadd.s32 v7, v14;
	_ =	sdelay $0x4  }
0x103: {  	[tilespmem:v14+s11+$0x0] =	vst.idx.msk $0xffff, v2  }
0x104: {  	v14 =	vld [tilespmem:s15+$0x120];
	_ =	sdelay $0x4  }
0x105: {  	v14 =	vadd.s32 v8, v14;
	_ =	sdelay $0x4  }
0x106: {  	[tilespmem:v14+s11+$0x0] =	vst.idx.msk $0xffff, v2  }
0x107: {  	v14 =	vld [tilespmem:s15+$0x130];
	_ =	sdelay $0x4  }
0x108: {  	v14 =	vadd.s32 v9, v14;
	_ =	sdelay $0x4  }
0x109: {  	[tilespmem:v14+s11+$0x0] =	vst.idx.msk $0xffff, v2  }
0x10a: {  	v14 =	vld [tilespmem:s15+$0x140];
	_ =	sdelay $0x4  }
0x10b: {  	v14 =	vadd.s32 v10, v14;
	_ =	sdelay $0x4  }
0x10c: {  	[tilespmem:v14+s11+$0x0] =	vst.idx.msk $0xffff, v2  }
0x10d: {  	v14 =	vld [tilespmem:s15+$0x150];
	_ =	sdelay $0x4  }
0x10e: {  	v14 =	vadd.s32 v11, v14;
	_ =	sdelay $0x4  }
0x10f: {  	[tilespmem:v14+s11+$0x0] =	vst.idx.msk $0xffff, v2  }
0x110: {  	v14 =	vld [tilespmem:s15+$0x160];
	_ =	sdelay $0x4  }
0x111: {  	v14 =	vadd.s32 v12, v14;
	_ =	sdelay $0x4  }
0x112: {  	[tilespmem:v14+s11+$0x0] =	vst.idx.msk $0xffff, v2  }
0x113: {  	v14 =	vld [tilespmem:s15+$0x170];
	_ =	sdelay $0x4  }
0x114: {  	v14 =	vadd.s32 v13, v14;
	_ =	sdelay $0x1  }
0x115: {  	p0 =	sne.s32 s14, $0x1740  }
.Ltmp2:
0x116: {  	_ = 	snop;
	(pc) =	sbr.rel @p0 .LBB2_6-.Ltmp2, $4  }
0x117: {  	_ = 	snop  }
0x118: {  	s14 =	sadd.s32 $0x180, s14;
	[tilespmem:v14+s11+$0x0] =	vst.idx.msk $0xffff, v2  }
0x119: {  	[hbm4b:s16+s2] =	stream.linear.scatter [tilespmem:s11], [sflag:$0x2], $0xC000, $0x38;
	[tilespmem:$0x19800] =	vst v63  }
0x11a: {  	s17 =	sadd.s32 $0x3000, s17;
	s15 =	sadd.s32 $0x180, s15;
	s16 =	sadd.s32 $0x3000, s16  }
0x11b: {  	s13 =	sadd.s32 $0x1, s13  }
0x11c: {  	_ =	swait.ge [sflag:s10], $0xC000;
	p0 =	sne.s32 s13, s6  }
.Ltmp3:
0x11d: {  	[sflag:s10] =	ssyncset.done $0x0;
	(pc) =	sbr.rel @p0 .LBB2_1-.Ltmp3, $4  }
0x11e: {  	[sflag:s10] =	ssyncadd.s32 $0xFFFF4000  }
0x11f: {  	_ =	swait.ge [sflag:s12], $0xC000  }
0x120: {  	[sflag:s12] =	ssyncset.done $0x0  }
0x121: {  	[sflag:s12] =	ssyncadd.s32 $0xFFFF4000  }
0x122: {  	_ =	sfence.sel $0x180000  }
0x123: {  	[bflag:$0x0] =	sbarrier.arrive $0xFFFF  }
0x124: {  	p0 =	sne.s32 s0, $0x0;
	_ =	strace $0x90000047  }
0x125: {  	s0 =	sadd.s32 @!p0 $0x100000, s1;
	[bflag:$0x2] =	sbarrier.arrive $0xFFFF  }
0x126: {  	[sflag:s0] =	ssyncadd.tile.s32 @!p0 $0x1;
	_ =	shalt  }
.Lfunc_end2:
_tile_overlayer_lowered:
.L_overlay_start_2:
0x127: {  	(tag) =	ssettag $0x2  }
0x128: {  	s0 =	rddreg [dreg:$0x0];
	s2 =	stileid.u32  }
0x129: {  	s1 =	rddreg [dreg:$0x1];
	p0 =	sne.s32 s2, $0x0  }
0x12a: {  	s3 =	rddreg [dreg:$0x2];
	[bflag:$0x3] =	sbarrier.arrive $0xFFFF;
	s2 =	simm.s32 @!p0 $0x1C03  }
0x12b: {  	[timem:s3], [sflag:s2] =	dma.local @!p0 [hbm:s0], s1  }
0x12c: {  	s0 =	simm.s32 @!p0 $0x3  }
0x12d: {  	_ =	swait.ge @!p0 [sflag:s0], s1  }
0x12e: {  	s1 =	ssub.s32 @!p0 $0x0, s1;
	[sflag:s0] =	ssyncset.done @!p0 $0x0  }
0x12f: {  	[sflag:s0] =	ssyncadd.s32 @!p0 s1  }
0x130: {  	[bflag:$0x3] =	sbarrier.arrive $0xFFFF  }
0x131: {  	_ =	shalt  }

</sc_bundles>
